<compile_context>
chip_gen: v7x
topology: tpu7x:2x2x1
jax: 0.10.2.dev20260603
libtpu: 0.0.44.dev20260713+nightly
codegen_flags: <defaults>
</compile_context>

<pallas_src>
import functools

import jax
import jax.numpy as jnp
from jax import lax
from jax.experimental import pallas as pl
from jax.experimental.pallas import tpu as pltpu
from jax.experimental.pallas import tpu_sc as plsc

_B = 16384
_S = 2048
_NW = 32
_BPW = _S // _NW
_C = 64
_NCHUNK = _BPW // _C
_NBUF = 2 if _NCHUNK > 1 else 1
_BB = 2048


def _table_body(e_ref, w1a_ref, w1b_ref, b1_ref, out_ref):
    e = e_ref[...]
    ones_col = jnp.full((64, 1), 1.0, dtype=jnp.float32)
    t_query = jnp.dot(e, w1a_ref[...], preferred_element_type=jnp.float32) + jnp.dot(
        ones_col, b1_ref[...], preferred_element_type=jnp.float32
    )
    t_mem = jnp.dot(e, w1b_ref[...], preferred_element_type=jnp.float32) * 0.125
    tbl = jnp.concatenate([t_query, t_mem], axis=0)
    out_ref[...] = jnp.concatenate(
        [tbl, jnp.zeros((128, 64), dtype=jnp.float32)], axis=1
    )


def _build_table(embed, W1, b1):
    return pl.pallas_call(
        _table_body,
        out_shape=jax.ShapeDtypeStruct((128, 128), jnp.float32),
    )(embed[:64], W1[:64], W1[64:], b1[None, :])


def _sc_body(idx_hbm, table_hbm, out_hbm, idx_v, buf_v, outc_v, sem0, sem1):
    wid = lax.axis_index("s") * 2 + lax.axis_index("c")
    base = wid * _BPW
    pltpu.sync_copy(idx_hbm.at[pl.ds(wid * 9 * _BPW, 9 * _BPW)], idx_v)

    sems = [sem0, sem1]

    def fire(c):
        half = c % _NBUF
        return [
            pltpu.async_copy(
                table_hbm.at[idx_v.at[pl.ds(t * _BPW + c * _C, _C)]],
                buf_v.at[pl.ds((half * 9 + t) * _C, _C)],
                sems[half],
            )
            for t in range(9)
        ]

    pend = fire(0)
    for c in range(_NCHUNK):
        nxt = fire(c + 1) if c + 1 < _NCHUNK else None
        for h in pend:
            h.wait()
        off = (c % _NBUF) * 9 * _C

        def row(r, carry):
            for k in range(4):
                acc = buf_v[off + r, pl.ds(k * 16, 16)]
                for t in range(1, 9):
                    acc = acc + buf_v[off + t * _C + r, pl.ds(k * 16, 16)]
                outc_v[c * _C + r, pl.ds(k * 16, 16)] = acc
            return carry

        lax.fori_loop(0, _C, row, 0)
        pend = nxt

    pltpu.sync_copy(outc_v, out_hbm.at[pl.ds(base, _BPW)])


def _sc_preact(idx_flat, table):
    mesh = plsc.VectorSubcoreMesh(core_axis_name="c", subcore_axis_name="s")
    kern = functools.partial(
        pl.kernel,
        mesh=mesh,
        out_type=jax.ShapeDtypeStruct((_S, 64), jnp.float32),
        scratch_types=[
            pltpu.VMEM((9 * _BPW,), jnp.int32),
            pltpu.VMEM((_NBUF * 9 * _C, 128), jnp.float32),
            pltpu.VMEM((_BPW, 64), jnp.float32),
            pltpu.SemaphoreType.DMA,
            pltpu.SemaphoreType.DMA,
        ],
    )(_sc_body)
    return kern(idx_flat, table)


def _onehot_body(toks_ref, et_ref, w1at_ref, w1bt_ref, b1_ref, w2_ref, b2_ref, out_ref):
    toks = toks_ref[...]
    bb = toks.shape[1]
    iota = lax.broadcasted_iota(jnp.int32, (64, bb), 0).astype(jnp.bfloat16)

    one = jnp.bfloat16(1.0)
    zero = jnp.bfloat16(0.0)
    ohq = jnp.where(toks[0:1, :] == iota, one, zero)
    cnt = jnp.where(toks[1:2, :] == iota, one, zero)
    for t in range(2, 9):
        cnt = cnt + jnp.where(toks[t : t + 1, :] == iota, one, zero)

    et = et_ref[...]
    ones_row = jnp.full((1, 64), 1.0, dtype=jnp.float32)
    m1t = (
        jnp.dot(w1at_ref[...], et, preferred_element_type=jnp.float32)
        + jnp.dot(b1_ref[...], ones_row, preferred_element_type=jnp.float32)
    )
    m2t = jnp.dot(w1bt_ref[...], et, preferred_element_type=jnp.float32) * 0.125

    preact_t = jnp.dot(
        m1t.astype(jnp.bfloat16), ohq, preferred_element_type=jnp.float32
    ) + jnp.dot(m2t.astype(jnp.bfloat16), cnt, preferred_element_type=jnp.float32)
    h1t = jnp.maximum(preact_t, 0.0)

    out = lax.dot_general(
        h1t,
        w2_ref[...],
        dimension_numbers=(((0,), (0,)), ((), ())),
        preferred_element_type=jnp.float32,
    )
    out_ref[...] = out + b2_ref[...]


def _onehot_part(toks_t, embed, W1, b1, W2, b2):
    et = embed[:64].T
    w1at = W1[:64].T
    w1bt = W1[64:].T
    nsc = _S // _BB
    grid = ((_B - _S) // _BB,)
    return pl.pallas_call(
        _onehot_body,
        grid=grid,
        in_specs=[
            pl.BlockSpec((9, _BB), lambda i: (0, i + nsc)),
            pl.BlockSpec((64, 64), lambda i: (0, 0)),
            pl.BlockSpec((64, 64), lambda i: (0, 0)),
            pl.BlockSpec((64, 64), lambda i: (0, 0)),
            pl.BlockSpec((64, 1), lambda i: (0, 0)),
            pl.BlockSpec((64, 64), lambda i: (0, 0)),
            pl.BlockSpec((1, 64), lambda i: (0, 0)),
        ],
        out_specs=pl.BlockSpec((_BB, 64), lambda i: (i + nsc, 0)),
        out_shape=jax.ShapeDtypeStruct((_B, 64), jnp.float32),
    )(toks_t, et, w1at, w1bt, b1[:, None], W2, b2[None, :])


def _stage2_body(base_ref, pre_ref, w2_ref, b2_ref, out_ref):
    del base_ref
    h1 = jnp.maximum(pre_ref[...], 0.0)
    out_ref[...] = (
        jnp.dot(h1, w2_ref[...], preferred_element_type=jnp.float32) + b2_ref[...]
    )


def _stage2(out_base, preact, W2, b2):
    grid = (_S // _BB,)
    return pl.pallas_call(
        _stage2_body,
        grid=grid,
        in_specs=[
            pl.BlockSpec(memory_space=pl.ANY),
            pl.BlockSpec((_BB, 64), lambda i: (i, 0)),
            pl.BlockSpec((64, 64), lambda i: (0, 0)),
            pl.BlockSpec((1, 64), lambda i: (0, 0)),
        ],
        out_specs=pl.BlockSpec((_BB, 64), lambda i: (i, 0)),
        out_shape=jax.ShapeDtypeStruct((_B, 64), jnp.float32),
        input_output_aliases={0: 0},
    )(out_base, preact, W2, b2[None, :])


def kernel(seqs, query_tok, embed, W1, b1, W2, b2):
    q = query_tok.astype(jnp.int32)[None, :]
    mem = seqs[:, 15:23].astype(jnp.int32).T
    toks = jnp.concatenate([q, mem], axis=0)

    toks_t = toks.astype(jnp.bfloat16)
    idx = toks[:, :_S] + jnp.concatenate(
        [jnp.zeros((1, 1), jnp.int32), jnp.full((8, 1), 64, jnp.int32)], axis=0
    )
    idx_flat = idx.reshape(9, _NW, _BPW).transpose(1, 0, 2).reshape(-1)

    table = _build_table(embed, W1, b1)
    preact_sc = _sc_preact(idx_flat, table)
    out_tc = _onehot_part(toks_t, embed, W1, b1, W2, b2)
    return _stage2(out_tc, preact_sc, W2, b2)

# --- scband reference (transcript-rebuilt; emitter-appended) ---
"""Pipeline reference for scband-lrumodel-77068893160204 (READ-ONLY COPY).

The authoritative reference and input builder live on the scoring server;
editing this copy changes nothing except your own understanding.
"""

import jax, jax.numpy as jnp
import numpy as np

HIDDEN_DIM = 64
MEMORY_SLOTS = 8
SEQ_LEN = 24
VOCAB_SIZE = 64
B = 16384


def setup_inputs(seed: int = 0) -> dict:
    key = jax.random.key(seed)
    k1, k2, k3, k4, k5, k6, k7 = jax.random.split(key, 7)
    seqs = jax.random.randint(k1, (B, SEQ_LEN), 0, 64, dtype=jnp.int64) if jax.config.jax_enable_x64 else jax.random.randint(k1, (B, SEQ_LEN), 0, 64, dtype=jnp.int32)
    query_tok = jax.random.randint(k2, (B,), 0, 64, dtype=seqs.dtype)
    embed = jax.random.normal(k3, (VOCAB_SIZE + 2, HIDDEN_DIM), dtype=jnp.float32)
    W1 = jax.random.normal(k4, (HIDDEN_DIM * 2, HIDDEN_DIM), dtype=jnp.float32) * (1.0 / np.sqrt(HIDDEN_DIM * 2))
    b1 = jnp.zeros((HIDDEN_DIM,), dtype=jnp.float32)
    W2 = jax.random.normal(k5, (HIDDEN_DIM, VOCAB_SIZE), dtype=jnp.float32) * (1.0 / np.sqrt(HIDDEN_DIM))
    b2 = jnp.zeros((VOCAB_SIZE,), dtype=jnp.float32)
    return {"seqs": seqs, "query_tok": query_tok, "embed": embed, "W1": W1, "b1": b1, "W2": W2, "b2": b2}


def reference(seqs, query_tok, embed, W1, b1, W2, b2):
    # LRU memory: loop over t=0..SEQ_LEN-2 keeping last MEMORY_SLOTS embeddings.
    # Final memory contents = embeddings of tokens at positions
    # [SEQ_LEN-1-MEMORY_SLOTS : SEQ_LEN-1] = [15:23].
    start = (SEQ_LEN - 1) - MEMORY_SLOTS
    mem_tokens = seqs[:, start:SEQ_LEN - 1]          # [B, MEMORY_SLOTS]
    mem_emb = jnp.take(embed, mem_tokens, axis=0)    # [B, MEMORY_SLOTS, H] gather
    mem_summary = mem_emb.mean(axis=1)               # [B, H]
    q_emb = jnp.take(embed, query_tok, axis=0)       # [B, H] gather
    h = jnp.concatenate([q_emb, mem_summary], axis=-1)  # [B, 2H]
    h1 = jax.nn.relu(h @ W1 + b1)
    logits = h1 @ W2 + b2                            # [B, VOCAB_SIZE]
    return logits

if __name__ == "__main__":
    import jax
    _d = setup_inputs()
    print(jax.jit(kernel)(*tuple(_d.values())))

</pallas_src>

<mosaic_0001>
#map = affine_map<(d0, d1) -> (0)>
#map1 = affine_map<(d0, d1) -> (0, 0)>
module attributes {stable_mosaic.version = 14 : i64} {
  func.func @_sc_body(%arg0: i32, %arg1: i32, %arg2: memref<18432xi32, #tpu.memory_space<hbm>>, %arg3: memref<128x128xf32, #tpu.memory_space<hbm>>, %arg4: memref<2048x64xf32, #tpu.memory_space<hbm>>, %arg5: memref<576xi32, #tpu.memory_space<vmem>>, %arg6: memref<576x128xf32, #tpu.memory_space<vmem>>, %arg7: memref<64x64xf32, #tpu.memory_space<vmem>>, %arg8: memref<!tpu.dma_semaphore, #tpu.memory_space<semaphore_mem>>, %arg9: memref<!tpu.dma_semaphore, #tpu.memory_space<semaphore_mem>>) attributes {dimension_semantics = [#tpu.dimension_semantics<core_parallel>, #tpu.dimension_semantics<subcore_parallel>], iteration_bounds = array<i64: 2, 16>, scalar_prefetch = 0 : i64, scratch_operands = 5 : i64, tpu.core_type = #tpu.core_type<sc_vector_subcore>, window_params = [{transform_indices = #map}, {transform_indices = #map1}, {transform_indices = #map1}]} {
    %mul3A = arith.constant 2 : i32
    %mul3A_0 = arith.muli %arg1, %mul3A : i32
    %add3A = arith.addi %mul3A_0, %arg0 : i32
    %mul3A_1 = arith.constant 64 : i32
    %mul3A_2 = arith.muli %add3A, %mul3A_1 : i32
    %mul3A_3 = arith.constant 9 : i32
    %mul3A_4 = arith.muli %add3A, %mul3A_3 : i32
    %mul3A_5 = arith.constant 64 : i32
    %mul3A_6 = arith.muli %mul3A_4, %mul3A_5 : i32
    "tpu.region"() ({
      %run_scoped3A = tpu.sem_alloc : memref<!tpu.dma_semaphore, #tpu.memory_space<semaphore_mem>>
      %dma_start3A_154 = tpu.memref_slice %arg2[%mul3A_6] : memref<18432xi32, #tpu.memory_space<hbm>> -> memref<576xi32, #tpu.memory_space<hbm>>
      %dma_start3A_155 = tpu.memref_slice %arg2[%mul3A_6] : memref<18432xi32, #tpu.memory_space<hbm>> -> memref<576xi32, #tpu.memory_space<hbm>>
      tpu.enqueue_dma source(%dma_start3A_155 : memref<576xi32, #tpu.memory_space<hbm>>) target(%arg5 : memref<576xi32, #tpu.memory_space<vmem>>) target_semaphore(%run_scoped3A : memref<!tpu.dma_semaphore, #tpu.memory_space<semaphore_mem>>)
      %dma_wait3A_156 = tpu.memref_slice %arg2[%mul3A_6] : memref<18432xi32, #tpu.memory_space<hbm>> -> memref<576xi32, #tpu.memory_space<hbm>>
      %dma_wait3A_157 = tpu.memref_slice %arg2[%mul3A_6] : memref<18432xi32, #tpu.memory_space<hbm>> -> memref<576xi32, #tpu.memory_space<hbm>>
      tpu.wait_dma2 semaphore(%run_scoped3A : memref<!tpu.dma_semaphore, #tpu.memory_space<semaphore_mem>>) src(%dma_wait3A_157 : memref<576xi32, #tpu.memory_space<hbm>>) dst(%arg5 : memref<576xi32, #tpu.memory_space<vmem>>)
      tpu.yield
    }) : () -> ()
    %dma_start3A = arith.constant 0 : i32
    %dma_start3A_7 = arith.constant 0 : i32
    %dma_start3A_8 = tpu.memref_slice %arg6[%dma_start3A, %dma_start3A_7] : memref<576x128xf32, #tpu.memory_space<vmem>> -> memref<64x128xf32, #tpu.memory_space<vmem>>
    %dma_start3A_9 = arith.constant 0 : i32
    %dma_start3A_10 = tpu.memref_slice %arg5[%dma_start3A_9] : memref<576xi32, #tpu.memory_space<vmem>> -> memref<64xi32, #tpu.memory_space<vmem>>
    %dma_start3A_11 = arith.constant 0 : i32
    %dma_start3A_12 = arith.constant 0 : i32
    %dma_start3A_13 = tpu.memref_slice %arg3[%dma_start3A_11, %dma_start3A_12] : memref<128x128xf32, #tpu.memory_space<hbm>> -> memref<128x128xf32, #tpu.memory_space<hbm>>
    tpu.enqueue_indirect_dma source(%dma_start3A_13 : memref<128x128xf32, #tpu.memory_space<hbm>>) target(%dma_start3A_8 : memref<64x128xf32, #tpu.memory_space<vmem>>) offsets(%dma_start3A_10 : memref<64xi32, #tpu.memory_space<vmem>>) semaphore(%arg8 : memref<!tpu.dma_semaphore, #tpu.memory_space<semaphore_mem>>)
    %dma_start3A_14 = arith.constant 64 : i32
    %dma_start3A_15 = arith.constant 0 : i32
    %dma_start3A_16 = tpu.memref_slice %arg6[%dma_start3A_14, %dma_start3A_15] : memref<576x128xf32, #tpu.memory_space<vmem>> -> memref<64x128xf32, #tpu.memory_space<vmem>>
    %dma_start3A_17 = arith.constant 64 : i32
    %dma_start3A_18 = tpu.memref_slice %arg5[%dma_start3A_17] : memref<576xi32, #tpu.memory_space<vmem>> -> memref<64xi32, #tpu.memory_space<vmem>>
    %dma_start3A_19 = arith.constant 0 : i32
    %dma_start3A_20 = arith.constant 0 : i32
    %dma_start3A_21 = tpu.memref_slice %arg3[%dma_start3A_19, %dma_start3A_20] : memref<128x128xf32, #tpu.memory_space<hbm>> -> memref<128x128xf32, #tpu.memory_space<hbm>>
    tpu.enqueue_indirect_dma source(%dma_start3A_21 : memref<128x128xf32, #tpu.memory_space<hbm>>) target(%dma_start3A_16 : memref<64x128xf32, #tpu.memory_space<vmem>>) offsets(%dma_start3A_18 : memref<64xi32, #tpu.memory_space<vmem>>) semaphore(%arg8 : memref<!tpu.dma_semaphore, #tpu.memory_space<semaphore_mem>>)
    %dma_start3A_22 = arith.constant 128 : i32
    %dma_start3A_23 = arith.constant 0 : i32
    %dma_start3A_24 = tpu.memref_slice %arg6[%dma_start3A_22, %dma_start3A_23] : memref<576x128xf32, #tpu.memory_space<vmem>> -> memref<64x128xf32, #tpu.memory_space<vmem>>
    %dma_start3A_25 = arith.constant 128 : i32
    %dma_start3A_26 = tpu.memref_slice %arg5[%dma_start3A_25] : memref<576xi32, #tpu.memory_space<vmem>> -> memref<64xi32, #tpu.memory_space<vmem>>
    %dma_start3A_27 = arith.constant 0 : i32
    %dma_start3A_28 = arith.constant 0 : i32
    %dma_start3A_29 = tpu.memref_slice %arg3[%dma_start3A_27, %dma_start3A_28] : memref<128x128xf32, #tpu.memory_space<hbm>> -> memref<128x128xf32, #tpu.memory_space<hbm>>
    tpu.enqueue_indirect_dma source(%dma_start3A_29 : memref<128x128xf32, #tpu.memory_space<hbm>>) target(%dma_start3A_24 : memref<64x128xf32, #tpu.memory_space<vmem>>) offsets(%dma_start3A_26 : memref<64xi32, #tpu.memory_space<vmem>>) semaphore(%arg8 : memref<!tpu.dma_semaphore, #tpu.memory_space<semaphore_mem>>)
    %dma_start3A_30 = arith.constant 192 : i32
    %dma_start3A_31 = arith.constant 0 : i32
    %dma_start3A_32 = tpu.memref_slice %arg6[%dma_start3A_30, %dma_start3A_31] : memref<576x128xf32, #tpu.memory_space<vmem>> -> memref<64x128xf32, #tpu.memory_space<vmem>>
    %dma_start3A_33 = arith.constant 192 : i32
    %dma_start3A_34 = tpu.memref_slice %arg5[%dma_start3A_33] : memref<576xi32, #tpu.memory_space<vmem>> -> memref<64xi32, #tpu.memory_space<vmem>>
    %dma_start3A_35 = arith.constant 0 : i32
    %dma_start3A_36 = arith.constant 0 : i32
    %dma_start3A_37 = tpu.memref_slice %arg3[%dma_start3A_35, %dma_start3A_36] : memref<128x128xf32, #tpu.memory_space<hbm>> -> memref<128x128xf32, #tpu.memory_space<hbm>>
    tpu.enqueue_indirect_dma source(%dma_start3A_37 : memref<128x128xf32, #tpu.memory_space<hbm>>) target(%dma_start3A_32 : memref<64x128xf32, #tpu.memory_space<vmem>>) offsets(%dma_start3A_34 : memref<64xi32, #tpu.memory_space<vmem>>) semaphore(%arg8 : memref<!tpu.dma_semaphore, #tpu.memory_space<semaphore_mem>>)
    %dma_start3A_38 = arith.constant 256 : i32
    %dma_start3A_39 = arith.constant 0 : i32
    %dma_start3A_40 = tpu.memref_slice %arg6[%dma_start3A_38, %dma_start3A_39] : memref<576x128xf32, #tpu.memory_space<vmem>> -> memref<64x128xf32, #tpu.memory_space<vmem>>
    %dma_start3A_41 = arith.constant 256 : i32
    %dma_start3A_42 = tpu.memref_slice %arg5[%dma_start3A_41] : memref<576xi32, #tpu.memory_space<vmem>> -> memref<64xi32, #tpu.memory_space<vmem>>
    %dma_start3A_43 = arith.constant 0 : i32
    %dma_start3A_44 = arith.constant 0 : i32
    %dma_start3A_45 = tpu.memref_slice %arg3[%dma_start3A_43, %dma_start3A_44] : memref<128x128xf32, #tpu.memory_space<hbm>> -> memref<128x128xf32, #tpu.memory_space<hbm>>
    tpu.enqueue_indirect_dma source(%dma_start3A_45 : memref<128x128xf32, #tpu.memory_space<hbm>>) target(%dma_start3A_40 : memref<64x128xf32, #tpu.memory_space<vmem>>) offsets(%dma_start3A_42 : memref<64xi32, #tpu.memory_space<vmem>>) semaphore(%arg8 : memref<!tpu.dma_semaphore, #tpu.memory_space<semaphore_mem>>)
    %dma_start3A_46 = arith.constant 320 : i32
    %dma_start3A_47 = arith.constant 0 : i32
    %dma_start3A_48 = tpu.memref_slice %arg6[%dma_start3A_46, %dma_start3A_47] : memref<576x128xf32, #tpu.memory_space<vmem>> -> memref<64x128xf32, #tpu.memory_space<vmem>>
    %dma_start3A_49 = arith.constant 320 : i32
    %dma_start3A_50 = tpu.memref_slice %arg5[%dma_start3A_49] : memref<576xi32, #tpu.memory_space<vmem>> -> memref<64xi32, #tpu.memory_space<vmem>>
    %dma_start3A_51 = arith.constant 0 : i32
    %dma_start3A_52 = arith.constant 0 : i32
    %dma_start3A_53 = tpu.memref_slice %arg3[%dma_start3A_51, %dma_start3A_52] : memref<128x128xf32, #tpu.memory_space<hbm>> -> memref<128x128xf32, #tpu.memory_space<hbm>>
    tpu.enqueue_indirect_dma source(%dma_start3A_53 : memref<128x128xf32, #tpu.memory_space<hbm>>) target(%dma_start3A_48 : memref<64x128xf32, #tpu.memory_space<vmem>>) offsets(%dma_start3A_50 : memref<64xi32, #tpu.memory_space<vmem>>) semaphore(%arg8 : memref<!tpu.dma_semaphore, #tpu.memory_space<semaphore_mem>>)
    %dma_start3A_54 = arith.constant 384 : i32
    %dma_start3A_55 = arith.constant 0 : i32
    %dma_start3A_56 = tpu.memref_slice %arg6[%dma_start3A_54, %dma_start3A_55] : memref<576x128xf32, #tpu.memory_space<vmem>> -> memref<64x128xf32, #tpu.memory_space<vmem>>
    %dma_start3A_57 = arith.constant 384 : i32
    %dma_start3A_58 = tpu.memref_slice %arg5[%dma_start3A_57] : memref<576xi32, #tpu.memory_space<vmem>> -> memref<64xi32, #tpu.memory_space<vmem>>
    %dma_start3A_59 = arith.constant 0 : i32
    %dma_start3A_60 = arith.constant 0 : i32
    %dma_start3A_61 = tpu.memref_slice %arg3[%dma_start3A_59, %dma_start3A_60] : memref<128x128xf32, #tpu.memory_space<hbm>> -> memref<128x128xf32, #tpu.memory_space<hbm>>
    tpu.enqueue_indirect_dma source(%dma_start3A_61 : memref<128x128xf32, #tpu.memory_space<hbm>>) target(%dma_start3A_56 : memref<64x128xf32, #tpu.memory_space<vmem>>) offsets(%dma_start3A_58 : memref<64xi32, #tpu.memory_space<vmem>>) semaphore(%arg8 : memref<!tpu.dma_semaphore, #tpu.memory_space<semaphore_mem>>)
    %dma_start3A_62 = arith.constant 448 : i32
    %dma_start3A_63 = arith.constant 0 : i32
    %dma_start3A_64 = tpu.memref_slice %arg6[%dma_start3A_62, %dma_start3A_63] : memref<576x128xf32, #tpu.memory_space<vmem>> -> memref<64x128xf32, #tpu.memory_space<vmem>>
    %dma_start3A_65 = arith.constant 448 : i32
    %dma_start3A_66 = tpu.memref_slice %arg5[%dma_start3A_65] : memref<576xi32, #tpu.memory_space<vmem>> -> memref<64xi32, #tpu.memory_space<vmem>>
    %dma_start3A_67 = arith.constant 0 : i32
    %dma_start3A_68 = arith.constant 0 : i32
    %dma_start3A_69 = tpu.memref_slice %arg3[%dma_start3A_67, %dma_start3A_68] : memref<128x128xf32, #tpu.memory_space<hbm>> -> memref<128x128xf32, #tpu.memory_space<hbm>>
    tpu.enqueue_indirect_dma source(%dma_start3A_69 : memref<128x128xf32, #tpu.memory_space<hbm>>) target(%dma_start3A_64 : memref<64x128xf32, #tpu.memory_space<vmem>>) offsets(%dma_start3A_66 : memref<64xi32, #tpu.memory_space<vmem>>) semaphore(%arg8 : memref<!tpu.dma_semaphore, #tpu.memory_space<semaphore_mem>>)
    %dma_start3A_70 = arith.constant 512 : i32
    %dma_start3A_71 = arith.constant 0 : i32
    %dma_start3A_72 = tpu.memref_slice %arg6[%dma_start3A_70, %dma_start3A_71] : memref<576x128xf32, #tpu.memory_space<vmem>> -> memref<64x128xf32, #tpu.memory_space<vmem>>
    %dma_start3A_73 = arith.constant 512 : i32
    %dma_start3A_74 = tpu.memref_slice %arg5[%dma_start3A_73] : memref<576xi32, #tpu.memory_space<vmem>> -> memref<64xi32, #tpu.memory_space<vmem>>
    %dma_start3A_75 = arith.constant 0 : i32
    %dma_start3A_76 = arith.constant 0 : i32
    %dma_start3A_77 = tpu.memref_slice %arg3[%dma_start3A_75, %dma_start3A_76] : memref<128x128xf32, #tpu.memory_space<hbm>> -> memref<128x128xf32, #tpu.memory_space<hbm>>
    tpu.enqueue_indirect_dma source(%dma_start3A_77 : memref<128x128xf32, #tpu.memory_space<hbm>>) target(%dma_start3A_72 : memref<64x128xf32, #tpu.memory_space<vmem>>) offsets(%dma_start3A_74 : memref<64xi32, #tpu.memory_space<vmem>>) semaphore(%arg8 : memref<!tpu.dma_semaphore, #tpu.memory_space<semaphore_mem>>)
    %dma_wait3A = arith.constant 0 : i32
    %dma_wait3A_78 = arith.constant 0 : i32
    %dma_wait3A_79 = tpu.memref_slice %arg6[%dma_wait3A, %dma_wait3A_78] : memref<576x128xf32, #tpu.memory_space<vmem>> -> memref<64x128xf32, #tpu.memory_space<vmem>>
    %dma_wait3A_80 = arith.constant 0 : i32
    %dma_wait3A_81 = tpu.memref_slice %arg5[%dma_wait3A_80] : memref<576xi32, #tpu.memory_space<vmem>> -> memref<64xi32, #tpu.memory_space<vmem>>
    %dma_wait3A_82 = arith.constant 0 : i32
    %dma_wait3A_83 = arith.constant 0 : i32
    %dma_wait3A_84 = tpu.memref_slice %arg3[%dma_wait3A_82, %dma_wait3A_83] : memref<128x128xf32, #tpu.memory_space<hbm>> -> memref<128x128xf32, #tpu.memory_space<hbm>>
    tpu.wait_indirect_dma semaphore(%arg8 : memref<!tpu.dma_semaphore, #tpu.memory_space<semaphore_mem>>) src(%dma_wait3A_84 : memref<128x128xf32, #tpu.memory_space<hbm>>) dst(%dma_wait3A_79 : memref<64x128xf32, #tpu.memory_space<vmem>>)
    %dma_wait3A_85 = arith.constant 64 : i32
    %dma_wait3A_86 = arith.constant 0 : i32
    %dma_wait3A_87 = tpu.memref_slice %arg6[%dma_wait3A_85, %dma_wait3A_86] : memref<576x128xf32, #tpu.memory_space<vmem>> -> memref<64x128xf32, #tpu.memory_space<vmem>>
    %dma_wait3A_88 = arith.constant 64 : i32
    %dma_wait3A_89 = tpu.memref_slice %arg5[%dma_wait3A_88] : memref<576xi32, #tpu.memory_space<vmem>> -> memref<64xi32, #tpu.memory_space<vmem>>
    %dma_wait3A_90 = arith.constant 0 : i32
    %dma_wait3A_91 = arith.constant 0 : i32
    %dma_wait3A_92 = tpu.memref_slice %arg3[%dma_wait3A_90, %dma_wait3A_91] : memref<128x128xf32, #tpu.memory_space<hbm>> -> memref<128x128xf32, #tpu.memory_space<hbm>>
    tpu.wait_indirect_dma semaphore(%arg8 : memref<!tpu.dma_semaphore, #tpu.memory_space<semaphore_mem>>) src(%dma_wait3A_92 : memref<128x128xf32, #tpu.memory_space<hbm>>) dst(%dma_wait3A_87 : memref<64x128xf32, #tpu.memory_space<vmem>>)
    %dma_wait3A_93 = arith.constant 128 : i32
    %dma_wait3A_94 = arith.constant 0 : i32
    %dma_wait3A_95 = tpu.memref_slice %arg6[%dma_wait3A_93, %dma_wait3A_94] : memref<576x128xf32, #tpu.memory_space<vmem>> -> memref<64x128xf32, #tpu.memory_space<vmem>>
    %dma_wait3A_96 = arith.constant 128 : i32
    %dma_wait3A_97 = tpu.memref_slice %arg5[%dma_wait3A_96] : memref<576xi32, #tpu.memory_space<vmem>> -> memref<64xi32, #tpu.memory_space<vmem>>
    %dma_wait3A_98 = arith.constant 0 : i32
    %dma_wait3A_99 = arith.constant 0 : i32
    %dma_wait3A_100 = tpu.memref_slice %arg3[%dma_wait3A_98, %dma_wait3A_99] : memref<128x128xf32, #tpu.memory_space<hbm>> -> memref<128x128xf32, #tpu.memory_space<hbm>>
    tpu.wait_indirect_dma semaphore(%arg8 : memref<!tpu.dma_semaphore, #tpu.memory_space<semaphore_mem>>) src(%dma_wait3A_100 : memref<128x128xf32, #tpu.memory_space<hbm>>) dst(%dma_wait3A_95 : memref<64x128xf32, #tpu.memory_space<vmem>>)
    %dma_wait3A_101 = arith.constant 192 : i32
    %dma_wait3A_102 = arith.constant 0 : i32
    %dma_wait3A_103 = tpu.memref_slice %arg6[%dma_wait3A_101, %dma_wait3A_102] : memref<576x128xf32, #tpu.memory_space<vmem>> -> memref<64x128xf32, #tpu.memory_space<vmem>>
    %dma_wait3A_104 = arith.constant 192 : i32
    %dma_wait3A_105 = tpu.memref_slice %arg5[%dma_wait3A_104] : memref<576xi32, #tpu.memory_space<vmem>> -> memref<64xi32, #tpu.memory_space<vmem>>
    %dma_wait3A_106 = arith.constant 0 : i32
    %dma_wait3A_107 = arith.constant 0 : i32
    %dma_wait3A_108 = tpu.memref_slice %arg3[%dma_wait3A_106, %dma_wait3A_107] : memref<128x128xf32, #tpu.memory_space<hbm>> -> memref<128x128xf32, #tpu.memory_space<hbm>>
    tpu.wait_indirect_dma semaphore(%arg8 : memref<!tpu.dma_semaphore, #tpu.memory_space<semaphore_mem>>) src(%dma_wait3A_108 : memref<128x128xf32, #tpu.memory_space<hbm>>) dst(%dma_wait3A_103 : memref<64x128xf32, #tpu.memory_space<vmem>>)
    %dma_wait3A_109 = arith.constant 256 : i32
    %dma_wait3A_110 = arith.constant 0 : i32
    %dma_wait3A_111 = tpu.memref_slice %arg6[%dma_wait3A_109, %dma_wait3A_110] : memref<576x128xf32, #tpu.memory_space<vmem>> -> memref<64x128xf32, #tpu.memory_space<vmem>>
    %dma_wait3A_112 = arith.constant 256 : i32
    %dma_wait3A_113 = tpu.memref_slice %arg5[%dma_wait3A_112] : memref<576xi32, #tpu.memory_space<vmem>> -> memref<64xi32, #tpu.memory_space<vmem>>
    %dma_wait3A_114 = arith.constant 0 : i32
    %dma_wait3A_115 = arith.constant 0 : i32
    %dma_wait3A_116 = tpu.memref_slice %arg3[%dma_wait3A_114, %dma_wait3A_115] : memref<128x128xf32, #tpu.memory_space<hbm>> -> memref<128x128xf32, #tpu.memory_space<hbm>>
    tpu.wait_indirect_dma semaphore(%arg8 : memref<!tpu.dma_semaphore, #tpu.memory_space<semaphore_mem>>) src(%dma_wait3A_116 : memref<128x128xf32, #tpu.memory_space<hbm>>) dst(%dma_wait3A_111 : memref<64x128xf32, #tpu.memory_space<vmem>>)
    %dma_wait3A_117 = arith.constant 320 : i32
    %dma_wait3A_118 = arith.constant 0 : i32
    %dma_wait3A_119 = tpu.memref_slice %arg6[%dma_wait3A_117, %dma_wait3A_118] : memref<576x128xf32, #tpu.memory_space<vmem>> -> memref<64x128xf32, #tpu.memory_space<vmem>>
    %dma_wait3A_120 = arith.constant 320 : i32
    %dma_wait3A_121 = tpu.memref_slice %arg5[%dma_wait3A_120] : memref<576xi32, #tpu.memory_space<vmem>> -> memref<64xi32, #tpu.memory_space<vmem>>
    %dma_wait3A_122 = arith.constant 0 : i32
    %dma_wait3A_123 = arith.constant 0 : i32
    %dma_wait3A_124 = tpu.memref_slice %arg3[%dma_wait3A_122, %dma_wait3A_123] : memref<128x128xf32, #tpu.memory_space<hbm>> -> memref<128x128xf32, #tpu.memory_space<hbm>>
    tpu.wait_indirect_dma semaphore(%arg8 : memref<!tpu.dma_semaphore, #tpu.memory_space<semaphore_mem>>) src(%dma_wait3A_124 : memref<128x128xf32, #tpu.memory_space<hbm>>) dst(%dma_wait3A_119 : memref<64x128xf32, #tpu.memory_space<vmem>>)
    %dma_wait3A_125 = arith.constant 384 : i32
    %dma_wait3A_126 = arith.constant 0 : i32
    %dma_wait3A_127 = tpu.memref_slice %arg6[%dma_wait3A_125, %dma_wait3A_126] : memref<576x128xf32, #tpu.memory_space<vmem>> -> memref<64x128xf32, #tpu.memory_space<vmem>>
    %dma_wait3A_128 = arith.constant 384 : i32
    %dma_wait3A_129 = tpu.memref_slice %arg5[%dma_wait3A_128] : memref<576xi32, #tpu.memory_space<vmem>> -> memref<64xi32, #tpu.memory_space<vmem>>
    %dma_wait3A_130 = arith.constant 0 : i32
    %dma_wait3A_131 = arith.constant 0 : i32
    %dma_wait3A_132 = tpu.memref_slice %arg3[%dma_wait3A_130, %dma_wait3A_131] : memref<128x128xf32, #tpu.memory_space<hbm>> -> memref<128x128xf32, #tpu.memory_space<hbm>>
    tpu.wait_indirect_dma semaphore(%arg8 : memref<!tpu.dma_semaphore, #tpu.memory_space<semaphore_mem>>) src(%dma_wait3A_132 : memref<128x128xf32, #tpu.memory_space<hbm>>) dst(%dma_wait3A_127 : memref<64x128xf32, #tpu.memory_space<vmem>>)
    %dma_wait3A_133 = arith.constant 448 : i32
    %dma_wait3A_134 = arith.constant 0 : i32
    %dma_wait3A_135 = tpu.memref_slice %arg6[%dma_wait3A_133, %dma_wait3A_134] : memref<576x128xf32, #tpu.memory_space<vmem>> -> memref<64x128xf32, #tpu.memory_space<vmem>>
    %dma_wait3A_136 = arith.constant 448 : i32
    %dma_wait3A_137 = tpu.memref_slice %arg5[%dma_wait3A_136] : memref<576xi32, #tpu.memory_space<vmem>> -> memref<64xi32, #tpu.memory_space<vmem>>
    %dma_wait3A_138 = arith.constant 0 : i32
    %dma_wait3A_139 = arith.constant 0 : i32
    %dma_wait3A_140 = tpu.memref_slice %arg3[%dma_wait3A_138, %dma_wait3A_139] : memref<128x128xf32, #tpu.memory_space<hbm>> -> memref<128x128xf32, #tpu.memory_space<hbm>>
    tpu.wait_indirect_dma semaphore(%arg8 : memref<!tpu.dma_semaphore, #tpu.memory_space<semaphore_mem>>) src(%dma_wait3A_140 : memref<128x128xf32, #tpu.memory_space<hbm>>) dst(%dma_wait3A_135 : memref<64x128xf32, #tpu.memory_space<vmem>>)
    %dma_wait3A_141 = arith.constant 512 : i32
    %dma_wait3A_142 = arith.constant 0 : i32
    %dma_wait3A_143 = tpu.memref_slice %arg6[%dma_wait3A_141, %dma_wait3A_142] : memref<576x128xf32, #tpu.memory_space<vmem>> -> memref<64x128xf32, #tpu.memory_space<vmem>>
    %dma_wait3A_144 = arith.constant 512 : i32
    %dma_wait3A_145 = tpu.memref_slice %arg5[%dma_wait3A_144] : memref<576xi32, #tpu.memory_space<vmem>> -> memref<64xi32, #tpu.memory_space<vmem>>
    %dma_wait3A_146 = arith.constant 0 : i32
    %dma_wait3A_147 = arith.constant 0 : i32
    %dma_wait3A_148 = tpu.memref_slice %arg3[%dma_wait3A_146, %dma_wait3A_147] : memref<128x128xf32, #tpu.memory_space<hbm>> -> memref<128x128xf32, #tpu.memory_space<hbm>>
    tpu.wait_indirect_dma semaphore(%arg8 : memref<!tpu.dma_semaphore, #tpu.memory_space<semaphore_mem>>) src(%dma_wait3A_148 : memref<128x128xf32, #tpu.memory_space<hbm>>) dst(%dma_wait3A_143 : memref<64x128xf32, #tpu.memory_space<vmem>>)
    %scan3A = arith.constant 0 : i32
    %scan3A_149 = arith.constant 0 : i32
    %scan3A_150 = arith.constant 64 : i32
    %scan3A_151 = arith.addi %scan3A_149, %scan3A_150 : i32
    %scan3A_152 = arith.constant 1 : i32
    scf.for %scan3A_154 = %scan3A_149 to %scan3A_151 step %scan3A_152  : i32 {
      %add3A_155 = arith.constant 0 : i32
      %add3A_156 = arith.addi %add3A_155, %scan3A_154 : i32
      %get3A = arith.index_cast %add3A_156 : i32 to index
      %get3A_157 = arith.constant 0 : index
      %get3A_158 = tpu.vector_load %arg6[%get3A, %get3A_157] {strides = array<i32>} : memref<576x128xf32, #tpu.memory_space<vmem>>, vector<1x16xf32>,
      %get3A_159 = vector.shape_cast %get3A_158 : vector<1x16xf32> to vector<16xf32>
      %add3A_160 = arith.constant 64 : i32
      %add3A_161 = arith.addi %add3A_160, %scan3A_154 : i32
      %get3A_162 = arith.index_cast %add3A_161 : i32 to index
      %get3A_163 = arith.constant 0 : index
      %get3A_164 = tpu.vector_load %arg6[%get3A_162, %get3A_163] {strides = array<i32>} : memref<576x128xf32, #tpu.memory_space<vmem>>, vector<1x16xf32>,
      %get3A_165 = vector.shape_cast %get3A_164 : vector<1x16xf32> to vector<16xf32>
      %add3A_166 = arith.addf %get3A_159, %get3A_165 : vector<16xf32>
      %add3A_167 = arith.constant 128 : i32
      %add3A_168 = arith.addi %add3A_167, %scan3A_154 : i32
      %get3A_169 = arith.index_cast %add3A_168 : i32 to index
      %get3A_170 = arith.constant 0 : index
      %get3A_171 = tpu.vector_load %arg6[%get3A_169, %get3A_170] {strides = array<i32>} : memref<576x128xf32, #tpu.memory_space<vmem>>, vector<1x16xf32>,
      %get3A_172 = vector.shape_cast %get3A_171 : vector<1x16xf32> to vector<16xf32>
      %add3A_173 = arith.addf %add3A_166, %get3A_172 : vector<16xf32>
      %add3A_174 = arith.constant 192 : i32
      %add3A_175 = arith.addi %add3A_174, %scan3A_154 : i32
      %get3A_176 = arith.index_cast %add3A_175 : i32 to index
      %get3A_177 = arith.constant 0 : index
      %get3A_178 = tpu.vector_load %arg6[%get3A_176, %get3A_177] {strides = array<i32>} : memref<576x128xf32, #tpu.memory_space<vmem>>, vector<1x16xf32>,
      %get3A_179 = vector.shape_cast %get3A_178 : vector<1x16xf32> to vector<16xf32>
      %add3A_180 = arith.addf %add3A_173, %get3A_179 : vector<16xf32>
      %add3A_181 = arith.constant 256 : i32
      %add3A_182 = arith.addi %add3A_181, %scan3A_154 : i32
      %get3A_183 = arith.index_cast %add3A_182 : i32 to index
      %get3A_184 = arith.constant 0 : index
      %get3A_185 = tpu.vector_load %arg6[%get3A_183, %get3A_184] {strides = array<i32>} : memref<576x128xf32, #tpu.memory_space<vmem>>, vector<1x16xf32>,
      %get3A_186 = vector.shape_cast %get3A_185 : vector<1x16xf32> to vector<16xf32>
      %add3A_187 = arith.addf %add3A_180, %get3A_186 : vector<16xf32>
      %add3A_188 = arith.constant 320 : i32
      %add3A_189 = arith.addi %add3A_188, %scan3A_154 : i32
      %get3A_190 = arith.index_cast %add3A_189 : i32 to index
      %get3A_191 = arith.constant 0 : index
      %get3A_192 = tpu.vector_load %arg6[%get3A_190, %get3A_191] {strides = array<i32>} : memref<576x128xf32, #tpu.memory_space<vmem>>, vector<1x16xf32>,
      %get3A_193 = vector.shape_cast %get3A_192 : vector<1x16xf32> to vector<16xf32>
      %add3A_194 = arith.addf %add3A_187, %get3A_193 : vector<16xf32>
      %add3A_195 = arith.constant 384 : i32
      %add3A_196 = arith.addi %add3A_195, %scan3A_154 : i32
      %get3A_197 = arith.index_cast %add3A_196 : i32 to index
      %get3A_198 = arith.constant 0 : index
      %get3A_199 = tpu.vector_load %arg6[%get3A_197, %get3A_198] {strides = array<i32>} : memref<576x128xf32, #tpu.memory_space<vmem>>, vector<1x16xf32>,
      %get3A_200 = vector.shape_cast %get3A_199 : vector<1x16xf32> to vector<16xf32>
      %add3A_201 = arith.addf %add3A_194, %get3A_200 : vector<16xf32>
      %add3A_202 = arith.constant 448 : i32
      %add3A_203 = arith.addi %add3A_202, %scan3A_154 : i32
      %get3A_204 = arith.index_cast %add3A_203 : i32 to index
      %get3A_205 = arith.constant 0 : index
      %get3A_206 = tpu.vector_load %arg6[%get3A_204, %get3A_205] {strides = array<i32>} : memref<576x128xf32, #tpu.memory_space<vmem>>, vector<1x16xf32>,
      %get3A_207 = vector.shape_cast %get3A_206 : vector<1x16xf32> to vector<16xf32>
      %add3A_208 = arith.addf %add3A_201, %get3A_207 : vector<16xf32>
      %add3A_209 = arith.constant 512 : i32
      %add3A_210 = arith.addi %add3A_209, %scan3A_154 : i32
      %get3A_211 = arith.index_cast %add3A_210 : i32 to index
      %get3A_212 = arith.constant 0 : index
      %get3A_213 = tpu.vector_load %arg6[%get3A_211, %get3A_212] {strides = array<i32>} : memref<576x128xf32, #tpu.memory_space<vmem>>, vector<1x16xf32>,
      %get3A_214 = vector.shape_cast %get3A_213 : vector<1x16xf32> to vector<16xf32>
      %add3A_215 = arith.addf %add3A_208, %get3A_214 : vector<16xf32>
      %add3A_216 = arith.constant 0 : i32
      %add3A_217 = arith.addi %add3A_216, %scan3A_154 : i32
      %swap3A = arith.index_cast %add3A_217 : i32 to index
      %swap3A_218 = arith.constant 0 : index
      %swap3A_219 = tpu.vector_load %arg7[%swap3A, %swap3A_218] {strides = array<i32>} : memref<64x64xf32, #tpu.memory_space<vmem>>, vector<1x16xf32>,
      %swap3A_220 = vector.shape_cast %swap3A_219 : vector<1x16xf32> to vector<16xf32>
      %swap3A_221 = vector.shape_cast %add3A_215 : vector<16xf32> to vector<1x16xf32>
      tpu.vector_store %arg7[%swap3A, %swap3A_218], %swap3A_221 {strides = array<i32>} : memref<64x64xf32, #tpu.memory_space<vmem>>, vector<1x16xf32>,
      %add3A_222 = arith.constant 0 : i32
      %add3A_223 = arith.addi %add3A_222, %scan3A_154 : i32
      %get3A_224 = arith.index_cast %add3A_223 : i32 to index
      %get3A_225 = arith.constant 16 : index
      %get3A_226 = tpu.vector_load %arg6[%get3A_224, %get3A_225] {strides = array<i32>} : memref<576x128xf32, #tpu.memory_space<vmem>>, vector<1x16xf32>,
      %get3A_227 = vector.shape_cast %get3A_226 : vector<1x16xf32> to vector<16xf32>
      %add3A_228 = arith.constant 64 : i32
      %add3A_229 = arith.addi %add3A_228, %scan3A_154 : i32
      %get3A_230 = arith.index_cast %add3A_229 : i32 to index
      %get3A_231 = arith.constant 16 : index
      %get3A_232 = tpu.vector_load %arg6[%get3A_230, %get3A_231] {strides = array<i32>} : memref<576x128xf32, #tpu.memory_space<vmem>>, vector<1x16xf32>,
      %get3A_233 = vector.shape_cast %get3A_232 : vector<1x16xf32> to vector<16xf32>
      %add3A_234 = arith.addf %get3A_227, %get3A_233 : vector<16xf32>
      %add3A_235 = arith.constant 128 : i32
      %add3A_236 = arith.addi %add3A_235, %scan3A_154 : i32
      %get3A_237 = arith.index_cast %add3A_236 : i32 to index
      %get3A_238 = arith.constant 16 : index
      %get3A_239 = tpu.vector_load %arg6[%get3A_237, %get3A_238] {strides = array<i32>} : memref<576x128xf32, #tpu.memory_space<vmem>>, vector<1x16xf32>,
      %get3A_240 = vector.shape_cast %get3A_239 : vector<1x16xf32> to vector<16xf32>
      %add3A_241 = arith.addf %add3A_234, %get3A_240 : vector<16xf32>
      %add3A_242 = arith.constant 192 : i32
      %add3A_243 = arith.addi %add3A_242, %scan3A_154 : i32
      %get3A_244 = arith.index_cast %add3A_243 : i32 to index
      %get3A_245 = arith.constant 16 : index
      %get3A_246 = tpu.vector_load %arg6[%get3A_244, %get3A_245] {strides = array<i32>} : memref<576x128xf32, #tpu.memory_space<vmem>>, vector<1x16xf32>,
      %get3A_247 = vector.shape_cast %get3A_246 : vector<1x16xf32> to vector<16xf32>
      %add3A_248 = arith.addf %add3A_241, %get3A_247 : vector<16xf32>
      %add3A_249 = arith.constant 256 : i32
      %add3A_250 = arith.addi %add3A_249, %scan3A_154 : i32
      %get3A_251 = arith.index_cast %add3A_250 : i32 to index
      %get3A_252 = arith.constant 16 : index
      %get3A_253 = tpu.vector_load %arg6[%get3A_251, %get3A_252] {strides = array<i32>} : memref<576x128xf32, #tpu.memory_space<vmem>>, vector<1x16xf32>,
      %get3A_254 = vector.shape_cast %get3A_253 : vector<1x16xf32> to vector<16xf32>
      %add3A_255 = arith.addf %add3A_248, %get3A_254 : vector<16xf32>
      %add3A_256 = arith.constant 320 : i32
      %add3A_257 = arith.addi %add3A_256, %scan3A_154 : i32
      %get3A_258 = arith.index_cast %add3A_257 : i32 to index
      %get3A_259 = arith.constant 16 : index
      %get3A_260 = tpu.vector_load %arg6[%get3A_258, %get3A_259] {strides = array<i32>} : memref<576x128xf32, #tpu.memory_space<vmem>>, vector<1x16xf32>,
      %get3A_261 = vector.shape_cast %get3A_260 : vector<1x16xf32> to vector<16xf32>
      %add3A_262 = arith.addf %add3A_255, %get3A_261 : vector<16xf32>
      %add3A_263 = arith.constant 384 : i32
      %add3A_264 = arith.addi %add3A_263, %scan3A_154 : i32
      %get3A_265 = arith.index_cast %add3A_264 : i32 to index
      %get3A_266 = arith.constant 16 : index
      %get3A_267 = tpu.vector_load %arg6[%get3A_265, %get3A_266] {strides = array<i32>} : memref<576x128xf32, #tpu.memory_space<vmem>>, vector<1x16xf32>,
      %get3A_268 = vector.shape_cast %get3A_267 : vector<1x16xf32> to vector<16xf32>
      %add3A_269 = arith.addf %add3A_262, %get3A_268 : vector<16xf32>
      %add3A_270 = arith.constant 448 : i32
      %add3A_271 = arith.addi %add3A_270, %scan3A_154 : i32
      %get3A_272 = arith.index_cast %add3A_271 : i32 to index
      %get3A_273 = arith.constant 16 : index
      %get3A_274 = tpu.vector_load %arg6[%get3A_272, %get3A_273] {strides = array<i32>} : memref<576x128xf32, #tpu.memory_space<vmem>>, vector<1x16xf32>,
      %get3A_275 = vector.shape_cast %get3A_274 : vector<1x16xf32> to vector<16xf32>
      %add3A_276 = arith.addf %add3A_269, %get3A_275 : vector<16xf32>
      %add3A_277 = arith.constant 512 : i32
      %add3A_278 = arith.addi %add3A_277, %scan3A_154 : i32
      %get3A_279 = arith.index_cast %add3A_278 : i32 to index
      %get3A_280 = arith.constant 16 : index
      %get3A_281 = tpu.vector_load %arg6[%get3A_279, %get3A_280] {strides = array<i32>} : memref<576x128xf32, #tpu.memory_space<vmem>>, vector<1x16xf32>,
      %get3A_282 = vector.shape_cast %get3A_281 : vector<1x16xf32> to vector<16xf32>
      %add3A_283 = arith.addf %add3A_276, %get3A_282 : vector<16xf32>
      %add3A_284 = arith.constant 0 : i32
      %add3A_285 = arith.addi %add3A_284, %scan3A_154 : i32
      %swap3A_286 = arith.index_cast %add3A_285 : i32 to index
      %swap3A_287 = arith.constant 16 : index
      %swap3A_288 = tpu.vector_load %arg7[%swap3A_286, %swap3A_287] {strides = array<i32>} : memref<64x64xf32, #tpu.memory_space<vmem>>, vector<1x16xf32>,
      %swap3A_289 = vector.shape_cast %swap3A_288 : vector<1x16xf32> to vector<16xf32>
      %swap3A_290 = vector.shape_cast %add3A_283 : vector<16xf32> to vector<1x16xf32>
      tpu.vector_store %arg7[%swap3A_286, %swap3A_287], %swap3A_290 {strides = array<i32>} : memref<64x64xf32, #tpu.memory_space<vmem>>, vector<1x16xf32>,
      %add3A_291 = arith.constant 0 : i32
      %add3A_292 = arith.addi %add3A_291, %scan3A_154 : i32
      %get3A_293 = arith.index_cast %add3A_292 : i32 to index
      %get3A_294 = arith.constant 32 : index
      %get3A_295 = tpu.vector_load %arg6[%get3A_293, %get3A_294] {strides = array<i32>} : memref<576x128xf32, #tpu.memory_space<vmem>>, vector<1x16xf32>,
      %get3A_296 = vector.shape_cast %get3A_295 : vector<1x16xf32> to vector<16xf32>
      %add3A_297 = arith.constant 64 : i32
      %add3A_298 = arith.addi %add3A_297, %scan3A_154 : i32
      %get3A_299 = arith.index_cast %add3A_298 : i32 to index
      %get3A_300 = arith.constant 32 : index
      %get3A_301 = tpu.vector_load %arg6[%get3A_299, %get3A_300] {strides = array<i32>} : memref<576x128xf32, #tpu.memory_space<vmem>>, vector<1x16xf32>,
      %get3A_302 = vector.shape_cast %get3A_301 : vector<1x16xf32> to vector<16xf32>
      %add3A_303 = arith.addf %get3A_296, %get3A_302 : vector<16xf32>
      %add3A_304 = arith.constant 128 : i32
      %add3A_305 = arith.addi %add3A_304, %scan3A_154 : i32
      %get3A_306 = arith.index_cast %add3A_305 : i32 to index
      %get3A_307 = arith.constant 32 : index
      %get3A_308 = tpu.vector_load %arg6[%get3A_306, %get3A_307] {strides = array<i32>} : memref<576x128xf32, #tpu.memory_space<vmem>>, vector<1x16xf32>,
      %get3A_309 = vector.shape_cast %get3A_308 : vector<1x16xf32> to vector<16xf32>
      %add3A_310 = arith.addf %add3A_303, %get3A_309 : vector<16xf32>
      %add3A_311 = arith.constant 192 : i32
      %add3A_312 = arith.addi %add3A_311, %scan3A_154 : i32
      %get3A_313 = arith.index_cast %add3A_312 : i32 to index
      %get3A_314 = arith.constant 32 : index
      %get3A_315 = tpu.vector_load %arg6[%get3A_313, %get3A_314] {strides = array<i32>} : memref<576x128xf32, #tpu.memory_space<vmem>>, vector<1x16xf32>,
      %get3A_316 = vector.shape_cast %get3A_315 : vector<1x16xf32> to vector<16xf32>
      %add3A_317 = arith.addf %add3A_310, %get3A_316 : vector<16xf32>
      %add3A_318 = arith.constant 256 : i32
      %add3A_319 = arith.addi %add3A_318, %scan3A_154 : i32
      %get3A_320 = arith.index_cast %add3A_319 : i32 to index
      %get3A_321 = arith.constant 32 : index
      %get3A_322 = tpu.vector_load %arg6[%get3A_320, %get3A_321] {strides = array<i32>} : memref<576x128xf32, #tpu.memory_space<vmem>>, vector<1x16xf32>,
      %get3A_323 = vector.shape_cast %get3A_322 : vector<1x16xf32> to vector<16xf32>
      %add3A_324 = arith.addf %add3A_317, %get3A_323 : vector<16xf32>
      %add3A_325 = arith.constant 320 : i32
      %add3A_326 = arith.addi %add3A_325, %scan3A_154 : i32
      %get3A_327 = arith.index_cast %add3A_326 : i32 to index
      %get3A_328 = arith.constant 32 : index
      %get3A_329 = tpu.vector_load %arg6[%get3A_327, %get3A_328] {strides = array<i32>} : memref<576x128xf32, #tpu.memory_space<vmem>>, vector<1x16xf32>,
      %get3A_330 = vector.shape_cast %get3A_329 : vector<1x16xf32> to vector<16xf32>
      %add3A_331 = arith.addf %add3A_324, %get3A_330 : vector<16xf32>
      %add3A_332 = arith.constant 384 : i32
      %add3A_333 = arith.addi %add3A_332, %scan3A_154 : i32
      %get3A_334 = arith.index_cast %add3A_333 : i32 to index
      %get3A_335 = arith.constant 32 : index
      %get3A_336 = tpu.vector_load %arg6[%get3A_334, %get3A_335] {strides = array<i32>} : memref<576x128xf32, #tpu.memory_space<vmem>>, vector<1x16xf32>,
      %get3A_337 = vector.shape_cast %get3A_336 : vector<1x16xf32> to vector<16xf32>
      %add3A_338 = arith.addf %add3A_331, %get3A_337 : vector<16xf32>
      %add3A_339 = arith.constant 448 : i32
      %add3A_340 = arith.addi %add3A_339, %scan3A_154 : i32
      %get3A_341 = arith.index_cast %add3A_340 : i32 to index
      %get3A_342 = arith.constant 32 : index
      %get3A_343 = tpu.vector_load %arg6[%get3A_341, %get3A_342] {strides = array<i32>} : memref<576x128xf32, #tpu.memory_space<vmem>>, vector<1x16xf32>,
      %get3A_344 = vector.shape_cast %get3A_343 : vector<1x16xf32> to vector<16xf32>
      %add3A_345 = arith.addf %add3A_338, %get3A_344 : vector<16xf32>
      %add3A_346 = arith.constant 512 : i32
      %add3A_347 = arith.addi %add3A_346, %scan3A_154 : i32
      %get3A_348 = arith.index_cast %add3A_347 : i32 to index
      %get3A_349 = arith.constant 32 : index
      %get3A_350 = tpu.vector_load %arg6[%get3A_348, %get3A_349] {strides = array<i32>} : memref<576x128xf32, #tpu.memory_space<vmem>>, vector<1x16xf32>,
      %get3A_351 = vector.shape_cast %get3A_350 : vector<1x16xf32> to vector<16xf32>
      %add3A_352 = arith.addf %add3A_345, %get3A_351 : vector<16xf32>
      %add3A_353 = arith.constant 0 : i32
      %add3A_354 = arith.addi %add3A_353, %scan3A_154 : i32
      %swap3A_355 = arith.index_cast %add3A_354 : i32 to index
      %swap3A_356 = arith.constant 32 : index
      %swap3A_357 = tpu.vector_load %arg7[%swap3A_355, %swap3A_356] {strides = array<i32>} : memref<64x64xf32, #tpu.memory_space<vmem>>, vector<1x16xf32>,
      %swap3A_358 = vector.shape_cast %swap3A_357 : vector<1x16xf32> to vector<16xf32>
      %swap3A_359 = vector.shape_cast %add3A_352 : vector<16xf32> to vector<1x16xf32>
      tpu.vector_store %arg7[%swap3A_355, %swap3A_356], %swap3A_359 {strides = array<i32>} : memref<64x64xf32, #tpu.memory_space<vmem>>, vector<1x16xf32>,
      %add3A_360 = arith.constant 0 : i32
      %add3A_361 = arith.addi %add3A_360, %scan3A_154 : i32
      %get3A_362 = arith.index_cast %add3A_361 : i32 to index
      %get3A_363 = arith.constant 48 : index
      %get3A_364 = tpu.vector_load %arg6[%get3A_362, %get3A_363] {strides = array<i32>} : memref<576x128xf32, #tpu.memory_space<vmem>>, vector<1x16xf32>,
      %get3A_365 = vector.shape_cast %get3A_364 : vector<1x16xf32> to vector<16xf32>
      %add3A_366 = arith.constant 64 : i32
      %add3A_367 = arith.addi %add3A_366, %scan3A_154 : i32
      %get3A_368 = arith.index_cast %add3A_367 : i32 to index
      %get3A_369 = arith.constant 48 : index
      %get3A_370 = tpu.vector_load %arg6[%get3A_368, %get3A_369] {strides = array<i32>} : memref<576x128xf32, #tpu.memory_space<vmem>>, vector<1x16xf32>,
      %get3A_371 = vector.shape_cast %get3A_370 : vector<1x16xf32> to vector<16xf32>
      %add3A_372 = arith.addf %get3A_365, %get3A_371 : vector<16xf32>
      %add3A_373 = arith.constant 128 : i32
      %add3A_374 = arith.addi %add3A_373, %scan3A_154 : i32
      %get3A_375 = arith.index_cast %add3A_374 : i32 to index
      %get3A_376 = arith.constant 48 : index
      %get3A_377 = tpu.vector_load %arg6[%get3A_375, %get3A_376] {strides = array<i32>} : memref<576x128xf32, #tpu.memory_space<vmem>>, vector<1x16xf32>,
      %get3A_378 = vector.shape_cast %get3A_377 : vector<1x16xf32> to vector<16xf32>
      %add3A_379 = arith.addf %add3A_372, %get3A_378 : vector<16xf32>
      %add3A_380 = arith.constant 192 : i32
      %add3A_381 = arith.addi %add3A_380, %scan3A_154 : i32
      %get3A_382 = arith.index_cast %add3A_381 : i32 to index
      %get3A_383 = arith.constant 48 : index
      %get3A_384 = tpu.vector_load %arg6[%get3A_382, %get3A_383] {strides = array<i32>} : memref<576x128xf32, #tpu.memory_space<vmem>>, vector<1x16xf32>,
      %get3A_385 = vector.shape_cast %get3A_384 : vector<1x16xf32> to vector<16xf32>
      %add3A_386 = arith.addf %add3A_379, %get3A_385 : vector<16xf32>
      %add3A_387 = arith.constant 256 : i32
      %add3A_388 = arith.addi %add3A_387, %scan3A_154 : i32
      %get3A_389 = arith.index_cast %add3A_388 : i32 to index
      %get3A_390 = arith.constant 48 : index
      %get3A_391 = tpu.vector_load %arg6[%get3A_389, %get3A_390] {strides = array<i32>} : memref<576x128xf32, #tpu.memory_space<vmem>>, vector<1x16xf32>,
      %get3A_392 = vector.shape_cast %get3A_391 : vector<1x16xf32> to vector<16xf32>
      %add3A_393 = arith.addf %add3A_386, %get3A_392 : vector<16xf32>
      %add3A_394 = arith.constant 320 : i32
      %add3A_395 = arith.addi %add3A_394, %scan3A_154 : i32
      %get3A_396 = arith.index_cast %add3A_395 : i32 to index
      %get3A_397 = arith.constant 48 : index
      %get3A_398 = tpu.vector_load %arg6[%get3A_396, %get3A_397] {strides = array<i32>} : memref<576x128xf32, #tpu.memory_space<vmem>>, vector<1x16xf32>,
      %get3A_399 = vector.shape_cast %get3A_398 : vector<1x16xf32> to vector<16xf32>
      %add3A_400 = arith.addf %add3A_393, %get3A_399 : vector<16xf32>
      %add3A_401 = arith.constant 384 : i32
      %add3A_402 = arith.addi %add3A_401, %scan3A_154 : i32
      %get3A_403 = arith.index_cast %add3A_402 : i32 to index
      %get3A_404 = arith.constant 48 : index
      %get3A_405 = tpu.vector_load %arg6[%get3A_403, %get3A_404] {strides = array<i32>} : memref<576x128xf32, #tpu.memory_space<vmem>>, vector<1x16xf32>,
      %get3A_406 = vector.shape_cast %get3A_405 : vector<1x16xf32> to vector<16xf32>
      %add3A_407 = arith.addf %add3A_400, %get3A_406 : vector<16xf32>
      %add3A_408 = arith.constant 448 : i32
      %add3A_409 = arith.addi %add3A_408, %scan3A_154 : i32
      %get3A_410 = arith.index_cast %add3A_409 : i32 to index
      %get3A_411 = arith.constant 48 : index
      %get3A_412 = tpu.vector_load %arg6[%get3A_410, %get3A_411] {strides = array<i32>} : memref<576x128xf32, #tpu.memory_space<vmem>>, vector<1x16xf32>,
      %get3A_413 = vector.shape_cast %get3A_412 : vector<1x16xf32> to vector<16xf32>
      %add3A_414 = arith.addf %add3A_407, %get3A_413 : vector<16xf32>
      %add3A_415 = arith.constant 512 : i32
      %add3A_416 = arith.addi %add3A_415, %scan3A_154 : i32
      %get3A_417 = arith.index_cast %add3A_416 : i32 to index
      %get3A_418 = arith.constant 48 : index
      %get3A_419 = tpu.vector_load %arg6[%get3A_417, %get3A_418] {strides = array<i32>} : memref<576x128xf32, #tpu.memory_space<vmem>>, vector<1x16xf32>,
      %get3A_420 = vector.shape_cast %get3A_419 : vector<1x16xf32> to vector<16xf32>
      %add3A_421 = arith.addf %add3A_414, %get3A_420 : vector<16xf32>
      %add3A_422 = arith.constant 0 : i32
      %add3A_423 = arith.addi %add3A_422, %scan3A_154 : i32
      %swap3A_424 = arith.index_cast %add3A_423 : i32 to index
      %swap3A_425 = arith.constant 48 : index
      %swap3A_426 = tpu.vector_load %arg7[%swap3A_424, %swap3A_425] {strides = array<i32>} : memref<64x64xf32, #tpu.memory_space<vmem>>, vector<1x16xf32>,
      %swap3A_427 = vector.shape_cast %swap3A_426 : vector<1x16xf32> to vector<16xf32>
      %swap3A_428 = vector.shape_cast %add3A_421 : vector<16xf32> to vector<1x16xf32>
      tpu.vector_store %arg7[%swap3A_424, %swap3A_425], %swap3A_428 {strides = array<i32>} : memref<64x64xf32, #tpu.memory_space<vmem>>, vector<1x16xf32>,
    }
    %scan3A_153 = arith.constant 64 : i32
    "tpu.region"() ({
      %run_scoped3A = tpu.sem_alloc : memref<!tpu.dma_semaphore, #tpu.memory_space<semaphore_mem>>
      %dma_start3A_154 = arith.constant 0 : i32
      %dma_start3A_155 = tpu.memref_slice %arg4[%mul3A_2, %dma_start3A_154] : memref<2048x64xf32, #tpu.memory_space<hbm>> -> memref<64x64xf32, #tpu.memory_space<hbm>>
      %dma_start3A_156 = arith.constant 0 : i32
      %dma_start3A_157 = tpu.memref_slice %arg4[%mul3A_2, %dma_start3A_156] : memref<2048x64xf32, #tpu.memory_space<hbm>> -> memref<64x64xf32, #tpu.memory_space<hbm>>
      tpu.enqueue_dma source(%arg7 : memref<64x64xf32, #tpu.memory_space<vmem>>) target(%dma_start3A_157 : memref<64x64xf32, #tpu.memory_space<hbm>>) target_semaphore(%run_scoped3A : memref<!tpu.dma_semaphore, #tpu.memory_space<semaphore_mem>>)
      %dma_wait3A_158 = arith.constant 0 : i32
      %dma_wait3A_159 = tpu.memref_slice %arg4[%mul3A_2, %dma_wait3A_158] : memref<2048x64xf32, #tpu.memory_space<hbm>> -> memref<64x64xf32, #tpu.memory_space<hbm>>
      %dma_wait3A_160 = arith.constant 0 : i32
      %dma_wait3A_161 = tpu.memref_slice %arg4[%mul3A_2, %dma_wait3A_160] : memref<2048x64xf32, #tpu.memory_space<hbm>> -> memref<64x64xf32, #tpu.memory_space<hbm>>
      tpu.wait_dma2 semaphore(%run_scoped3A : memref<!tpu.dma_semaphore, #tpu.memory_space<semaphore_mem>>) src(%arg7 : memref<64x64xf32, #tpu.memory_space<vmem>>) dst(%dma_wait3A_161 : memref<64x64xf32, #tpu.memory_space<hbm>>)
      tpu.yield
    }) : () -> ()
    return
  }
}

module attributes {stable_mosaic.version = 14 : i64} {
  func.func @_table_body(%arg0: memref<64x64xf32, #tpu.memory_space<vmem>>, %arg1: memref<64x64xf32, #tpu.memory_space<vmem>>, %arg2: memref<64x64xf32, #tpu.memory_space<vmem>>, %arg3: memref<1x64xf32, #tpu.memory_space<vmem>>, %arg4: memref<128x128xf32, #tpu.memory_space<vmem>>) attributes {dimension_semantics = [], scalar_prefetch = 0 : i64, scratch_operands = 0 : i64, tpu.core_type = #tpu.core_type<tc>} {
    %get3A = arith.constant 0 : index
    %get3A_0 = arith.constant 0 : index
    %get3A_1 = vector.load %arg0[%get3A, %get3A_0] : memref<64x64xf32, #tpu.memory_space<vmem>>, vector<64x64xf32>
    %broadcast_in_dim3A = arith.constant 1.000000e+00 : f32
    %broadcast_in_dim3A_2 = vector.broadcast %broadcast_in_dim3A : f32 to vector<64x1xf32>
    %get3A_3 = arith.constant 0 : index
    %get3A_4 = arith.constant 0 : index
    %get3A_5 = vector.load %arg1[%get3A_3, %get3A_4] : memref<64x64xf32, #tpu.memory_space<vmem>>, vector<64x64xf32>
    %dot_general3A = arith.constant dense<0.000000e+00> : vector<64x64xf32>
    %dot_general3A_6 = tpu.matmul %get3A_1, %get3A_5, %dot_general3A {dimension_numbers = #tpu.dot_dimension_numbers<[1], [0], [0], [1], [0, 0, 1, 1], [], []>, transpose_lhs_hint = false} : vector<64x64xf32>, vector<64x64xf32>, vector<64x64xf32> -> vector<64x64xf32>
    %get3A_7 = arith.constant 0 : index
    %get3A_8 = arith.constant 0 : index
    %get3A_9 = vector.load %arg3[%get3A_7, %get3A_8] : memref<1x64xf32, #tpu.memory_space<vmem>>, vector<1x64xf32>
    %dot_general3A_10 = arith.constant dense<0.000000e+00> : vector<64x64xf32>
    %dot_general3A_11 = tpu.matmul %broadcast_in_dim3A_2, %get3A_9, %dot_general3A_10 {dimension_numbers = #tpu.dot_dimension_numbers<[1], [0], [0], [1], [0, 0, 1, 1], [], []>, transpose_lhs_hint = false} : vector<64x1xf32>, vector<1x64xf32>, vector<64x64xf32> -> vector<64x64xf32>
    %add3A = arith.addf %dot_general3A_6, %dot_general3A_11 : vector<64x64xf32>
    %get3A_12 = arith.constant 0 : index
    %get3A_13 = arith.constant 0 : index
    %get3A_14 = vector.load %arg2[%get3A_12, %get3A_13] : memref<64x64xf32, #tpu.memory_space<vmem>>, vector<64x64xf32>
    %dot_general3A_15 = arith.constant dense<0.000000e+00> : vector<64x64xf32>
    %dot_general3A_16 = tpu.matmul %get3A_1, %get3A_14, %dot_general3A_15 {dimension_numbers = #tpu.dot_dimension_numbers<[1], [0], [0], [1], [0, 0, 1, 1], [], []>, transpose_lhs_hint = false} : vector<64x64xf32>, vector<64x64xf32>, vector<64x64xf32> -> vector<64x64xf32>
    %mul3A = arith.constant 1.250000e-01 : f32
    %mul3A_17 = vector.broadcast %mul3A : f32 to vector<64x64xf32>
    %mul3A_18 = arith.mulf %dot_general3A_16, %mul3A_17 : vector<64x64xf32>
    %concatenate3A = tpu.concatenate %add3A, %mul3A_18 in 0 : vector<64x64xf32>, vector<64x64xf32> -> vector<128x64xf32>
    %broadcast_in_dim3A_19 = arith.constant 0.000000e+00 : f32
    %broadcast_in_dim3A_20 = vector.broadcast %broadcast_in_dim3A_19 : f32 to vector<128x64xf32>
    %concatenate3A_21 = tpu.concatenate %concatenate3A, %broadcast_in_dim3A_20 in 1 : vector<128x64xf32>, vector<128x64xf32> -> vector<128x128xf32>
    %swap3A = arith.constant 0 : index
    %swap3A_22 = arith.constant 0 : index
    %swap3A_23 = vector.load %arg4[%swap3A, %swap3A_22] : memref<128x128xf32, #tpu.memory_space<vmem>>, vector<128x128xf32>
    tpu.vector_store %arg4[%swap3A, %swap3A_22], %concatenate3A_21 {strides = array<i32>} : memref<128x128xf32, #tpu.memory_space<vmem>>, vector<128x128xf32>,
    return
  }
}

module attributes {stable_mosaic.version = 14 : i64} {
  func.func @_stage2_body(%arg0: i32, %arg1: memref<16384x64xf32, #tpu.memory_space<any>>, %arg2: memref<2048x64xf32, #tpu.memory_space<vmem>>, %arg3: memref<64x64xf32, #tpu.memory_space<vmem>>, %arg4: memref<1x64xf32, #tpu.memory_space<vmem>>, %arg5: memref<2048x64xf32, #tpu.memory_space<vmem>>) attributes {dimension_semantics = [#tpu.dimension_semantics<arbitrary>], iteration_bounds = array<i64: 1>, scalar_prefetch = 0 : i64, scratch_operands = 0 : i64, tpu.core_type = #tpu.core_type<tc>, window_params = [{}, {transform_indices = @transform_1, window_bounds = array<i64: 2048, 64>}, {pipeline_mode = #tpu.pipeline_mode<synchronous>, transform_indices = @transform_2, window_bounds = array<i64: 64, 64>}, {pipeline_mode = #tpu.pipeline_mode<synchronous>, transform_indices = @transform_3, window_bounds = array<i64: 1, 64>}, {transform_indices = @transform_4, window_bounds = array<i64: 2048, 64>}]} {
    %get3A = arith.constant 0 : index
    %get3A_0 = arith.constant 0 : index
    %get3A_1 = vector.load %arg2[%get3A, %get3A_0] : memref<2048x64xf32, #tpu.memory_space<vmem>>, vector<2048x64xf32>
    %max3A = arith.constant 0.000000e+00 : f32
    %max3A_2 = vector.broadcast %max3A : f32 to vector<2048x64xf32>
    %max3A_3 = arith.maximumf %get3A_1, %max3A_2 : vector<2048x64xf32>
    %get3A_4 = arith.constant 0 : index
    %get3A_5 = arith.constant 0 : index
    %get3A_6 = vector.load %arg3[%get3A_4, %get3A_5] : memref<64x64xf32, #tpu.memory_space<vmem>>, vector<64x64xf32>
    %dot_general3A = arith.constant dense<0.000000e+00> : vector<2048x64xf32>
    %dot_general3A_7 = tpu.matmul %max3A_3, %get3A_6, %dot_general3A {dimension_numbers = #tpu.dot_dimension_numbers<[1], [0], [0], [1], [0, 0, 1, 1], [], []>, transpose_lhs_hint = false} : vector<2048x64xf32>, vector<64x64xf32>, vector<2048x64xf32> -> vector<2048x64xf32>
    %get3A_8 = arith.constant 0 : index
    %get3A_9 = arith.constant 0 : index
    %get3A_10 = vector.load %arg4[%get3A_8, %get3A_9] : memref<1x64xf32, #tpu.memory_space<vmem>>, vector<1x64xf32>
    %add3A = vector.broadcast %get3A_10 : vector<1x64xf32> to vector<2048x64xf32>
    %add3A_11 = arith.addf %dot_general3A_7, %add3A : vector<2048x64xf32>
    %swap3A = arith.constant 0 : index
    %swap3A_12 = arith.constant 0 : index
    %swap3A_13 = vector.load %arg5[%swap3A, %swap3A_12] : memref<2048x64xf32, #tpu.memory_space<vmem>>, vector<2048x64xf32>
    tpu.vector_store %arg5[%swap3A, %swap3A_12], %add3A_11 {strides = array<i32>} : memref<2048x64xf32, #tpu.memory_space<vmem>>, vector<2048x64xf32>,
    return
  }
  func.func @transform_1(%arg0: i32) -> (i32, i32) {
    %c0_i32 = arith.constant 0 : i32
    %c0_i32_0 = arith.constant 0 : i32
    return %arg0, %c0_i32 : i32, i32
  }
  func.func @transform_2(%arg0: i32) -> (i32, i32) {
    %c0_i32 = arith.constant 0 : i32
    %c0_i32_0 = arith.constant 0 : i32
    %c0_i32_1 = arith.constant 0 : i32
    return %c0_i32, %c0_i32_0 : i32, i32
  }
  func.func @transform_3(%arg0: i32) -> (i32, i32) {
    %c0_i32 = arith.constant 0 : i32
    %c0_i32_0 = arith.constant 0 : i32
    %c0_i32_1 = arith.constant 0 : i32
    return %c0_i32, %c0_i32_0 : i32, i32
  }
  func.func @transform_4(%arg0: i32) -> (i32, i32) {
    %c0_i32 = arith.constant 0 : i32
    %c0_i32_0 = arith.constant 0 : i32
    return %arg0, %c0_i32 : i32, i32
  }
}

module attributes {stable_mosaic.version = 14 : i64} {
  func.func @_onehot_body(%arg0: i32, %arg1: memref<9x2048xbf16, #tpu.memory_space<vmem>>, %arg2: memref<64x64xf32, #tpu.memory_space<vmem>>, %arg3: memref<64x64xf32, #tpu.memory_space<vmem>>, %arg4: memref<64x64xf32, #tpu.memory_space<vmem>>, %arg5: memref<64x1xf32, #tpu.memory_space<vmem>>, %arg6: memref<64x64xf32, #tpu.memory_space<vmem>>, %arg7: memref<1x64xf32, #tpu.memory_space<vmem>>, %arg8: memref<2048x64xf32, #tpu.memory_space<vmem>>) attributes {dimension_semantics = [#tpu.dimension_semantics<arbitrary>], iteration_bounds = array<i64: 7>, scalar_prefetch = 0 : i64, scratch_operands = 0 : i64, tpu.core_type = #tpu.core_type<tc>, window_params = [{transform_indices = @transform_0, window_bounds = array<i64: 9, 2048>}, {pipeline_mode = #tpu.pipeline_mode<synchronous>, transform_indices = @transform_1, window_bounds = array<i64: 64, 64>}, {pipeline_mode = #tpu.pipeline_mode<synchronous>, transform_indices = @transform_2, window_bounds = array<i64: 64, 64>}, {pipeline_mode = #tpu.pipeline_mode<synchronous>, transform_indices = @transform_3, window_bounds = array<i64: 64, 64>}, {pipeline_mode = #tpu.pipeline_mode<synchronous>, transform_indices = @transform_4, window_bounds = array<i64: 64, 1>}, {pipeline_mode = #tpu.pipeline_mode<synchronous>, transform_indices = @transform_5, window_bounds = array<i64: 64, 64>}, {pipeline_mode = #tpu.pipeline_mode<synchronous>, transform_indices = @transform_6, window_bounds = array<i64: 1, 64>}, {transform_indices = @transform_7, window_bounds = array<i64: 2048, 64>}]} {
    %get3A = arith.constant 0 : index
    %get3A_0 = arith.constant 0 : index
    %get3A_1 = vector.load %arg1[%get3A, %get3A_0] : memref<9x2048xbf16, #tpu.memory_space<vmem>>, vector<9x2048xbf16>
    %iota3A = tpu.iota {dimensions = array<i32: 0>} : vector<64x2048xi32>
    %convert_element_type3A = arith.sitofp %iota3A : vector<64x2048xi32> to vector<64x2048xbf16>
    %slice3A = vector.extract_strided_slice %get3A_1 {offsets = [0, 0], sizes = [1, 2048], strides = [1, 1]} : vector<9x2048xbf16> to vector<1x2048xbf16>
    %eq3A = vector.broadcast %slice3A : vector<1x2048xbf16> to vector<64x2048xbf16>
    %eq3A_2 = arith.cmpf oeq, %eq3A, %convert_element_type3A : vector<64x2048xbf16>
    %jit3A = arith.constant 1.000000e+00 : bf16
    %jit3A_3 = arith.constant 0.000000e+00 : bf16
    %broadcast_in_dim3A = vector.broadcast %jit3A : bf16 to vector<64x2048xbf16>
    %broadcast_in_dim3A_4 = vector.broadcast %jit3A_3 : bf16 to vector<64x2048xbf16>
    %select_n3A = arith.select %eq3A_2, %broadcast_in_dim3A, %broadcast_in_dim3A_4 : vector<64x2048xi1>, vector<64x2048xbf16>
    %slice3A_5 = vector.extract_strided_slice %get3A_1 {offsets = [1, 0], sizes = [1, 2048], strides = [1, 1]} : vector<9x2048xbf16> to vector<1x2048xbf16>
    %eq3A_6 = vector.broadcast %slice3A_5 : vector<1x2048xbf16> to vector<64x2048xbf16>
    %eq3A_7 = arith.cmpf oeq, %eq3A_6, %convert_element_type3A : vector<64x2048xbf16>
    %jit3A_8 = arith.constant 1.000000e+00 : bf16
    %jit3A_9 = arith.constant 0.000000e+00 : bf16
    %broadcast_in_dim3A_10 = vector.broadcast %jit3A_8 : bf16 to vector<64x2048xbf16>
    %broadcast_in_dim3A_11 = vector.broadcast %jit3A_9 : bf16 to vector<64x2048xbf16>
    %select_n3A_12 = arith.select %eq3A_7, %broadcast_in_dim3A_10, %broadcast_in_dim3A_11 : vector<64x2048xi1>, vector<64x2048xbf16>
    %slice3A_13 = vector.extract_strided_slice %get3A_1 {offsets = [2, 0], sizes = [1, 2048], strides = [1, 1]} : vector<9x2048xbf16> to vector<1x2048xbf16>
    %eq3A_14 = vector.broadcast %slice3A_13 : vector<1x2048xbf16> to vector<64x2048xbf16>
    %eq3A_15 = arith.cmpf oeq, %eq3A_14, %convert_element_type3A : vector<64x2048xbf16>
    %jit3A_16 = arith.constant 1.000000e+00 : bf16
    %jit3A_17 = arith.constant 0.000000e+00 : bf16
    %broadcast_in_dim3A_18 = vector.broadcast %jit3A_16 : bf16 to vector<64x2048xbf16>
    %broadcast_in_dim3A_19 = vector.broadcast %jit3A_17 : bf16 to vector<64x2048xbf16>
    %select_n3A_20 = arith.select %eq3A_15, %broadcast_in_dim3A_18, %broadcast_in_dim3A_19 : vector<64x2048xi1>, vector<64x2048xbf16>
    %add3A = arith.addf %select_n3A_12, %select_n3A_20 : vector<64x2048xbf16>
    %slice3A_21 = vector.extract_strided_slice %get3A_1 {offsets = [3, 0], sizes = [1, 2048], strides = [1, 1]} : vector<9x2048xbf16> to vector<1x2048xbf16>
    %eq3A_22 = vector.broadcast %slice3A_21 : vector<1x2048xbf16> to vector<64x2048xbf16>
    %eq3A_23 = arith.cmpf oeq, %eq3A_22, %convert_element_type3A : vector<64x2048xbf16>
    %jit3A_24 = arith.constant 1.000000e+00 : bf16
    %jit3A_25 = arith.constant 0.000000e+00 : bf16
    %broadcast_in_dim3A_26 = vector.broadcast %jit3A_24 : bf16 to vector<64x2048xbf16>
    %broadcast_in_dim3A_27 = vector.broadcast %jit3A_25 : bf16 to vector<64x2048xbf16>
    %select_n3A_28 = arith.select %eq3A_23, %broadcast_in_dim3A_26, %broadcast_in_dim3A_27 : vector<64x2048xi1>, vector<64x2048xbf16>
    %add3A_29 = arith.addf %add3A, %select_n3A_28 : vector<64x2048xbf16>
    %slice3A_30 = vector.extract_strided_slice %get3A_1 {offsets = [4, 0], sizes = [1, 2048], strides = [1, 1]} : vector<9x2048xbf16> to vector<1x2048xbf16>
    %eq3A_31 = vector.broadcast %slice3A_30 : vector<1x2048xbf16> to vector<64x2048xbf16>
    %eq3A_32 = arith.cmpf oeq, %eq3A_31, %convert_element_type3A : vector<64x2048xbf16>
    %jit3A_33 = arith.constant 1.000000e+00 : bf16
    %jit3A_34 = arith.constant 0.000000e+00 : bf16
    %broadcast_in_dim3A_35 = vector.broadcast %jit3A_33 : bf16 to vector<64x2048xbf16>
    %broadcast_in_dim3A_36 = vector.broadcast %jit3A_34 : bf16 to vector<64x2048xbf16>
    %select_n3A_37 = arith.select %eq3A_32, %broadcast_in_dim3A_35, %broadcast_in_dim3A_36 : vector<64x2048xi1>, vector<64x2048xbf16>
    %add3A_38 = arith.addf %add3A_29, %select_n3A_37 : vector<64x2048xbf16>
    %slice3A_39 = vector.extract_strided_slice %get3A_1 {offsets = [5, 0], sizes = [1, 2048], strides = [1, 1]} : vector<9x2048xbf16> to vector<1x2048xbf16>
    %eq3A_40 = vector.broadcast %slice3A_39 : vector<1x2048xbf16> to vector<64x2048xbf16>
    %eq3A_41 = arith.cmpf oeq, %eq3A_40, %convert_element_type3A : vector<64x2048xbf16>
    %jit3A_42 = arith.constant 1.000000e+00 : bf16
    %jit3A_43 = arith.constant 0.000000e+00 : bf16
    %broadcast_in_dim3A_44 = vector.broadcast %jit3A_42 : bf16 to vector<64x2048xbf16>
    %broadcast_in_dim3A_45 = vector.broadcast %jit3A_43 : bf16 to vector<64x2048xbf16>
    %select_n3A_46 = arith.select %eq3A_41, %broadcast_in_dim3A_44, %broadcast_in_dim3A_45 : vector<64x2048xi1>, vector<64x2048xbf16>
    %add3A_47 = arith.addf %add3A_38, %select_n3A_46 : vector<64x2048xbf16>
    %slice3A_48 = vector.extract_strided_slice %get3A_1 {offsets = [6, 0], sizes = [1, 2048], strides = [1, 1]} : vector<9x2048xbf16> to vector<1x2048xbf16>
    %eq3A_49 = vector.broadcast %slice3A_48 : vector<1x2048xbf16> to vector<64x2048xbf16>
    %eq3A_50 = arith.cmpf oeq, %eq3A_49, %convert_element_type3A : vector<64x2048xbf16>
    %jit3A_51 = arith.constant 1.000000e+00 : bf16
    %jit3A_52 = arith.constant 0.000000e+00 : bf16
    %broadcast_in_dim3A_53 = vector.broadcast %jit3A_51 : bf16 to vector<64x2048xbf16>
    %broadcast_in_dim3A_54 = vector.broadcast %jit3A_52 : bf16 to vector<64x2048xbf16>
    %select_n3A_55 = arith.select %eq3A_50, %broadcast_in_dim3A_53, %broadcast_in_dim3A_54 : vector<64x2048xi1>, vector<64x2048xbf16>
    %add3A_56 = arith.addf %add3A_47, %select_n3A_55 : vector<64x2048xbf16>
    %slice3A_57 = vector.extract_strided_slice %get3A_1 {offsets = [7, 0], sizes = [1, 2048], strides = [1, 1]} : vector<9x2048xbf16> to vector<1x2048xbf16>
    %eq3A_58 = vector.broadcast %slice3A_57 : vector<1x2048xbf16> to vector<64x2048xbf16>
    %eq3A_59 = arith.cmpf oeq, %eq3A_58, %convert_element_type3A : vector<64x2048xbf16>
    %jit3A_60 = arith.constant 1.000000e+00 : bf16
    %jit3A_61 = arith.constant 0.000000e+00 : bf16
    %broadcast_in_dim3A_62 = vector.broadcast %jit3A_60 : bf16 to vector<64x2048xbf16>
    %broadcast_in_dim3A_63 = vector.broadcast %jit3A_61 : bf16 to vector<64x2048xbf16>
    %select_n3A_64 = arith.select %eq3A_59, %broadcast_in_dim3A_62, %broadcast_in_dim3A_63 : vector<64x2048xi1>, vector<64x2048xbf16>
    %add3A_65 = arith.addf %add3A_56, %select_n3A_64 : vector<64x2048xbf16>
    %slice3A_66 = vector.extract_strided_slice %get3A_1 {offsets = [8, 0], sizes = [1, 2048], strides = [1, 1]} : vector<9x2048xbf16> to vector<1x2048xbf16>
    %eq3A_67 = vector.broadcast %slice3A_66 : vector<1x2048xbf16> to vector<64x2048xbf16>
    %eq3A_68 = arith.cmpf oeq, %eq3A_67, %convert_element_type3A : vector<64x2048xbf16>
    %jit3A_69 = arith.constant 1.000000e+00 : bf16
    %jit3A_70 = arith.constant 0.000000e+00 : bf16
    %broadcast_in_dim3A_71 = vector.broadcast %jit3A_69 : bf16 to vector<64x2048xbf16>
    %broadcast_in_dim3A_72 = vector.broadcast %jit3A_70 : bf16 to vector<64x2048xbf16>
    %select_n3A_73 = arith.select %eq3A_68, %broadcast_in_dim3A_71, %broadcast_in_dim3A_72 : vector<64x2048xi1>, vector<64x2048xbf16>
    %add3A_74 = arith.addf %add3A_65, %select_n3A_73 : vector<64x2048xbf16>
    %get3A_75 = arith.constant 0 : index
    %get3A_76 = arith.constant 0 : index
    %get3A_77 = vector.load %arg2[%get3A_75, %get3A_76] : memref<64x64xf32, #tpu.memory_space<vmem>>, vector<64x64xf32>
    %broadcast_in_dim3A_78 = arith.constant 1.000000e+00 : f32
    %broadcast_in_dim3A_79 = vector.broadcast %broadcast_in_dim3A_78 : f32 to vector<1x64xf32>
    %get3A_80 = arith.constant 0 : index
    %get3A_81 = arith.constant 0 : index
    %get3A_82 = vector.load %arg3[%get3A_80, %get3A_81] : memref<64x64xf32, #tpu.memory_space<vmem>>, vector<64x64xf32>
    %dot_general3A = arith.constant dense<0.000000e+00> : vector<64x64xf32>
    %dot_general3A_83 = tpu.matmul %get3A_82, %get3A_77, %dot_general3A {dimension_numbers = #tpu.dot_dimension_numbers<[1], [0], [0], [1], [0, 0, 1, 1], [], []>, transpose_lhs_hint = false} : vector<64x64xf32>, vector<64x64xf32>, vector<64x64xf32> -> vector<64x64xf32>
    %get3A_84 = arith.constant 0 : index
    %get3A_85 = arith.constant 0 : index
    %get3A_86 = vector.load %arg5[%get3A_84, %get3A_85] : memref<64x1xf32, #tpu.memory_space<vmem>>, vector<64x1xf32>
    %dot_general3A_87 = arith.constant dense<0.000000e+00> : vector<64x64xf32>
    %dot_general3A_88 = tpu.matmul %get3A_86, %broadcast_in_dim3A_79, %dot_general3A_87 {dimension_numbers = #tpu.dot_dimension_numbers<[1], [0], [0], [1], [0, 0, 1, 1], [], []>, transpose_lhs_hint = false} : vector<64x1xf32>, vector<1x64xf32>, vector<64x64xf32> -> vector<64x64xf32>
    %add3A_89 = arith.addf %dot_general3A_83, %dot_general3A_88 : vector<64x64xf32>
    %get3A_90 = arith.constant 0 : index
    %get3A_91 = arith.constant 0 : index
    %get3A_92 = vector.load %arg4[%get3A_90, %get3A_91] : memref<64x64xf32, #tpu.memory_space<vmem>>, vector<64x64xf32>
    %dot_general3A_93 = arith.constant dense<0.000000e+00> : vector<64x64xf32>
    %dot_general3A_94 = tpu.matmul %get3A_92, %get3A_77, %dot_general3A_93 {dimension_numbers = #tpu.dot_dimension_numbers<[1], [0], [0], [1], [0, 0, 1, 1], [], []>, transpose_lhs_hint = false} : vector<64x64xf32>, vector<64x64xf32>, vector<64x64xf32> -> vector<64x64xf32>
    %mul3A = arith.constant 1.250000e-01 : f32
    %mul3A_95 = vector.broadcast %mul3A : f32 to vector<64x64xf32>
    %mul3A_96 = arith.mulf %dot_general3A_94, %mul3A_95 : vector<64x64xf32>
    %convert_element_type3A_97 = arith.truncf %add3A_89 : vector<64x64xf32> to vector<64x64xbf16>
    %dot_general3A_98 = arith.constant dense<0.000000e+00> : vector<64x2048xf32>
    %dot_general3A_99 = tpu.matmul %convert_element_type3A_97, %select_n3A, %dot_general3A_98 {dimension_numbers = #tpu.dot_dimension_numbers<[1], [0], [0], [1], [0, 0, 1, 1], [], []>, transpose_lhs_hint = false} : vector<64x64xbf16>, vector<64x2048xbf16>, vector<64x2048xf32> -> vector<64x2048xf32>
    %convert_element_type3A_100 = arith.truncf %mul3A_96 : vector<64x64xf32> to vector<64x64xbf16>
    %dot_general3A_101 = arith.constant dense<0.000000e+00> : vector<64x2048xf32>
    %dot_general3A_102 = tpu.matmul %convert_element_type3A_100, %add3A_74, %dot_general3A_101 {dimension_numbers = #tpu.dot_dimension_numbers<[1], [0], [0], [1], [0, 0, 1, 1], [], []>, transpose_lhs_hint = false} : vector<64x64xbf16>, vector<64x2048xbf16>, vector<64x2048xf32> -> vector<64x2048xf32>
    %add3A_103 = arith.addf %dot_general3A_99, %dot_general3A_102 : vector<64x2048xf32>
    %max3A = arith.constant 0.000000e+00 : f32
    %max3A_104 = vector.broadcast %max3A : f32 to vector<64x2048xf32>
    %max3A_105 = arith.maximumf %add3A_103, %max3A_104 : vector<64x2048xf32>
    %get3A_106 = arith.constant 0 : index
    %get3A_107 = arith.constant 0 : index
    %get3A_108 = vector.load %arg6[%get3A_106, %get3A_107] : memref<64x64xf32, #tpu.memory_space<vmem>>, vector<64x64xf32>
    %dot_general3A_109 = arith.constant dense<0.000000e+00> : vector<2048x64xf32>
    %dot_general3A_110 = tpu.matmul %max3A_105, %get3A_108, %dot_general3A_109 {dimension_numbers = #tpu.dot_dimension_numbers<[0], [0], [1], [1], [0, 1, 1, 1], [], []>, transpose_lhs_hint = false} : vector<64x2048xf32>, vector<64x64xf32>, vector<2048x64xf32> -> vector<2048x64xf32>
    %get3A_111 = arith.constant 0 : index
    %get3A_112 = arith.constant 0 : index
    %get3A_113 = vector.load %arg7[%get3A_111, %get3A_112] : memref<1x64xf32, #tpu.memory_space<vmem>>, vector<1x64xf32>
    %add3A_114 = vector.broadcast %get3A_113 : vector<1x64xf32> to vector<2048x64xf32>
    %add3A_115 = arith.addf %dot_general3A_110, %add3A_114 : vector<2048x64xf32>
    %swap3A = arith.constant 0 : index
    %swap3A_116 = arith.constant 0 : index
    %swap3A_117 = vector.load %arg8[%swap3A, %swap3A_116] : memref<2048x64xf32, #tpu.memory_space<vmem>>, vector<2048x64xf32>
    tpu.vector_store %arg8[%swap3A, %swap3A_116], %add3A_115 {strides = array<i32>} : memref<2048x64xf32, #tpu.memory_space<vmem>>, vector<2048x64xf32>,
    return
  }
  func.func @transform_0(%arg0: i32) -> (i32, i32) {
    %add3A = arith.constant 1 : i32
    %add3A_0 = arith.addi %arg0, %add3A : i32
    %c0_i32 = arith.constant 0 : i32
    %c0_i32_1 = arith.constant 0 : i32
    return %c0_i32, %add3A_0 : i32, i32
  }
  func.func @transform_1(%arg0: i32) -> (i32, i32) {
    %c0_i32 = arith.constant 0 : i32
    %c0_i32_0 = arith.constant 0 : i32
    %c0_i32_1 = arith.constant 0 : i32
    return %c0_i32, %c0_i32_0 : i32, i32
  }
  func.func @transform_2(%arg0: i32) -> (i32, i32) {
    %c0_i32 = arith.constant 0 : i32
    %c0_i32_0 = arith.constant 0 : i32
    %c0_i32_1 = arith.constant 0 : i32
    return %c0_i32, %c0_i32_0 : i32, i32
  }
  func.func @transform_3(%arg0: i32) -> (i32, i32) {
    %c0_i32 = arith.constant 0 : i32
    %c0_i32_0 = arith.constant 0 : i32
    %c0_i32_1 = arith.constant 0 : i32
    return %c0_i32, %c0_i32_0 : i32, i32
  }
  func.func @transform_4(%arg0: i32) -> (i32, i32) {
    %c0_i32 = arith.constant 0 : i32
    %c0_i32_0 = arith.constant 0 : i32
    %c0_i32_1 = arith.constant 0 : i32
    return %c0_i32, %c0_i32_0 : i32, i32
  }
  func.func @transform_5(%arg0: i32) -> (i32, i32) {
    %c0_i32 = arith.constant 0 : i32
    %c0_i32_0 = arith.constant 0 : i32
    %c0_i32_1 = arith.constant 0 : i32
    return %c0_i32, %c0_i32_0 : i32, i32
  }
  func.func @transform_6(%arg0: i32) -> (i32, i32) {
    %c0_i32 = arith.constant 0 : i32
    %c0_i32_0 = arith.constant 0 : i32
    %c0_i32_1 = arith.constant 0 : i32
    return %c0_i32, %c0_i32_0 : i32, i32
  }
  func.func @transform_7(%arg0: i32) -> (i32, i32) {
    %add3A = arith.constant 1 : i32
    %add3A_0 = arith.addi %arg0, %add3A : i32
    %c0_i32 = arith.constant 0 : i32
    %c0_i32_1 = arith.constant 0 : i32
    return %add3A_0, %c0_i32 : i32, i32
  }
}

</mosaic_0001>

<sc_bundles>
// kernel: kernel.6.cloned.1.call-start
scs
__scs_entry_jumppad:
0x0: {  	(pc) =	sbr.rel $0x88, $3  }
0x1: {  	(tag) =	ssettag $0x0;
	lr =	simm.s32 $0x1  }
0x2: {  	[smem:$0x3F9A] =	sst lr;
	_ =	strace $0xD0000000  }
0x3: {  	_ = 	snop  }
0x4: {  	_ = 	snop  }
0x5: {  	_ = 	snop  }
0x6: {  	_ = 	snop  }
0x7: {  	_ = 	snop  }
__scs_overlays_trampoline_lowered:
0x8: {  	[smem:$0x3FA9] =	sst s0  }
0x9: {  	[smem:$0x3FAA] =	sst s1  }
0xa: {  	[smem:$0x3FAB] =	sst s2  }
0xb: {  	[smem:$0x3FAC] =	sst s3  }
0xc: {  	[smem:$0x3FAD] =	sst s4  }
0xd: {  	[smem:$0x3FAE] =	sst s5  }
0xe: {  	[smem:$0x3FAF] =	sst s6  }
0xf: {  	[smem:$0x3FB0] =	sst s7  }
0x10: {  	[smem:$0x3FB1] =	sst s8  }
0x11: {  	[smem:$0x3FB2] =	sst s9;
	s0 =	simm.s32 @!p0 $0x0  }
0x12: {  	s1 =	sld [smem:$0x3F98];
	s0 =	simm.s32 @p0 $0x1  }
0x13: {  	[smem:$0x3FB3] =	sst s0;
	s0 =	simm.s32 @!p1 $0x0  }
0x14: {  	s2 =	sld [smem:$0x3F97];
	s0 =	simm.s32 @p1 $0x1  }
0x15: {  	[smem:$0x3FB4] =	sst s0;
	s0 =	simm.s32 @!p2 $0x0  }
0x16: {  	s3 =	sld [smem:$0x3FDB];
	s0 =	simm.s32 @p2 $0x1  }
0x17: {  	s4 =	simm.s32 $0x1BF5;
	[smem:$0x3FB6] =	sst s0  }
0x18: {  	s0 =	sld [smem:$0x3F99];
	_ =	swait.ge [sflag:s4], $0x0  }
0x19: {  	s7 =	sld [smem:$0x3F9A]  }
0x1a: {  	s8 =	sadd.s32 $0xFFFFE003, lr  }
0x1b: {  	s9 =	sadd.s32 $0xFFFFFEF7, lr;
	s5 =	simm.s32 $0xFFFFFFFF;
	p2 =	slt.u32 s8, $0xFFFFF086  }
0x1c: {  	p1 =	slt.u32 s9, $0xF7A;
	s5 =	simm.s32 @!p2 $0x0  }
0x1d: {  	s5 =	simm.s32 @p1 $0x1;
	p0 =	seq.s32 s7, s2  }
0x1e: {  	s7 =	smul.u32 @!p0 $0xF7A, s2;
	p2 =	seq.s32 @!p0 s5, $0x0  }
0x1f: {  	s9 =	smul.u32 $0xF7A, s1;
	s8 =	simm.s32 @!p0 $0x1BF5;
	p2 =	por !p2, p0  }
0x20: {  	[sflag:s8] =	ssyncset.s32 @!p0 $0xFFFFF086;
	s6 =	sadd.s32 @!p0 s3, s7;
	s7 =	simm.s32 @!p0 $0x108  }
0x21: {  	s3 =	sadd.s32 s3, s9;
	s6 =	sadd.s32 @!p0 $0x88, s6;
	s7 =	simm.s32 @p2 $0x1082  }
0x22: {  	[simem:s7], [sflag:s8] =	dma.local @!p0 [hbm:s6], $0xF7A  }
0x23: {  	s9 =	sor.u32 $0xD0000000, s2;
	s6 =	simm.s32 $0x108;
	_ =	swait.ge @!p0 [sflag:s8], $0x0  }
0x24: {  	s3 =	sadd.s32 $0x88, s3;
	s6 =	simm.s32 @!p1 $0x1082;
	[sflag:s4] =	ssyncset.s32 $0xFFFFF086  }
0x25: {  	[simem:s6], [sflag:s4] =	dma.local [hbm:s3], $0xF7A  }
0x26: {  	[smem:$0x3F9A] =	sst s1;
	(tag) =	ssettag s2;
	_ =	strace s9  }
0x27: {  	s1 =	sld [smem:$0x3FAA]  }
0x28: {  	s2 =	sld [smem:$0x3FAB]  }
0x29: {  	s4 =	sld [smem:$0x3FAD]  }
0x2a: {  	p0 =	seq.s32 s5, $0x0;
	s5 =	sld [smem:$0x3FAE]  }
0x2b: {  	s6 =	sld [smem:$0x3FAF]  }
0x2c: {  	s7 =	sld [smem:$0x3FB0]  }
0x2d: {  	s3 =	simm.s32 $0x108;
	s8 =	sld [smem:$0x3FB1]  }
0x2e: {  	s3 =	simm.s32 @!p0 $0x1082;
	s9 =	sld [smem:$0x3FB2]  }
0x2f: {  	lr =	sadd.s32 s0, s3;
	s0 =	sld [smem:$0x3FA9]  }
0x30: {  	s3 =	sld [smem:$0x3FAC]  }
0x31: {  	[smem:$0x3FB5] =	sst s10  }
0x32: {  	s10 =	sld [smem:$0x3FB3];
	_ =	sdelay $0x3  }
0x33: {  	p0 =	seq.s32 s10, $0x1;
	s10 =	sld [smem:$0x3FB5];
	_ =	sdelay $0x3  }
0x34: {  	[smem:$0x3FB5] =	sst s10  }
0x35: {  	s10 =	sld [smem:$0x3FB4];
	_ =	sdelay $0x3  }
0x36: {  	p1 =	seq.s32 s10, $0x1;
	s10 =	sld [smem:$0x3FB5];
	_ =	sdelay $0x3  }
0x37: {  	[smem:$0x3FB5] =	sst s10  }
0x38: {  	s10 =	sld [smem:$0x3FB6]  }
0x39: {  	_ = 	snop;
	(pc) =	sbr.ind lr, $3  }
0x3a: {  	_ = 	snop  }
0x3b: {  	_ = 	snop  }
0x3c: {  	p2 =	seq.s32 s10, $0x1;
	s10 =	sld [smem:$0x3FB5]  }
0x3d: {  	_ =	shalt  }
0x3e: {  	_ =	shalt  }
0x3f: {  	_ =	shalt  }
0x40: {  	_ =	shalt  }
0x41: {  	_ =	shalt  }
0x42: {  	_ =	shalt  }
0x43: {  	_ =	shalt  }
0x44: {  	_ =	shalt  }
0x45: {  	_ =	shalt  }
0x46: {  	_ =	shalt  }
0x47: {  	_ =	shalt  }
0x48: {  	_ =	shalt  }
0x49: {  	_ =	shalt  }
0x4a: {  	_ =	shalt  }
0x4b: {  	_ =	shalt  }
0x4c: {  	_ =	shalt  }
0x4d: {  	_ =	shalt  }
0x4e: {  	_ =	shalt  }
0x4f: {  	_ =	shalt  }
0x50: {  	_ =	shalt  }
0x51: {  	_ =	shalt  }
0x52: {  	_ =	shalt  }
0x53: {  	_ =	shalt  }
0x54: {  	_ =	shalt  }
0x55: {  	_ =	shalt  }
0x56: {  	_ =	shalt  }
0x57: {  	_ =	shalt  }
0x58: {  	_ =	shalt  }
0x59: {  	_ =	shalt  }
0x5a: {  	_ =	shalt  }
0x5b: {  	_ =	shalt  }
0x5c: {  	_ =	shalt  }
0x5d: {  	_ =	shalt  }
0x5e: {  	_ =	shalt  }
0x5f: {  	_ =	shalt  }
0x60: {  	_ =	shalt  }
0x61: {  	_ =	shalt  }
0x62: {  	_ =	shalt  }
0x63: {  	_ =	shalt  }
0x64: {  	_ =	shalt  }
0x65: {  	_ =	shalt  }
0x66: {  	_ =	shalt  }
0x67: {  	_ =	shalt  }
0x68: {  	_ =	shalt  }
0x69: {  	_ =	shalt  }
0x6a: {  	_ =	shalt  }
0x6b: {  	_ =	shalt  }
0x6c: {  	_ =	shalt  }
0x6d: {  	_ =	shalt  }
0x6e: {  	_ =	shalt  }
0x6f: {  	_ =	shalt  }
0x70: {  	_ =	shalt  }
0x71: {  	_ =	shalt  }
0x72: {  	_ =	shalt  }
0x73: {  	_ =	shalt  }
0x74: {  	_ =	shalt  }
0x75: {  	_ =	shalt  }
0x76: {  	_ =	shalt  }
0x77: {  	_ =	shalt  }
0x78: {  	_ =	shalt  }
0x79: {  	_ =	shalt  }
0x7a: {  	_ =	shalt  }
0x7b: {  	_ =	shalt  }
0x7c: {  	_ =	shalt  }
0x7d: {  	_ =	shalt  }
0x7e: {  	_ =	shalt  }
0x7f: {  	_ =	shalt  }
0x80: {  	_ =	shalt  }
0x81: {  	_ =	shalt  }
0x82: {  	_ =	shalt  }
0x83: {  	_ =	shalt  }
0x84: {  	_ =	shalt  }
0x85: {  	_ =	shalt  }
0x86: {  	_ =	shalt  }
0x87: {  	_ =	shalt  }
.Lfunc_end0:
.L_simem_size_0:
called_computation_lowered:
.L_overlay_start_0:
0x88: {  	s2 =	sld [smem:$0x3FD9]  }
0x89: {  	s3 =	sld [smem:$0x3FFE];
	_ =	sdelay $0x1  }
0x8a: {  	s1 =	srdreg.scid  }
0x8b: {  	s0 =	sand.u32 $0x1, s1  }
0x8c: {  	s17 =	sshll.u32 s0, $0xA;
	s2 =	sadd.s32 s3, s2  }
0x8d: {  	s2 =	sadd.s32 s2, s17  }
0x8e: {  	[smem:$0x3FC1] =	sst s2  }
0x8f: {  	_ = 	snop  }
0x90: {  	s2 =	sld [smem:$0x3FD0];
	(tm) =	ssettm $0x1  }
0x91: {  	s18 =	sld [smem:$0x3FFB];
	_ =	sdelay $0x3  }
0x92: {  	_ =	strace s18  }
0x93: {  	s3 =	sld [smem:$0x3FFC];
	_ =	sdelay $0x3  }
0x94: {  	_ =	strace s3  }
0x95: {  	s3 =	sld [smem:$0x3FFD];
	_ =	sdelay $0x3  }
0x96: {  	_ =	strace s3  }
0x97: {  	_ =	strace $0x8FFFFFFF  }
0x98: {  	s19 =	sld [smem:$0x3FDB];
	_ =	sdelay $0x1  }
0x99: {  	s4 =	simm.s32 $_scs_section_size  }
0x9a: {  	s5 =	simm.s32 $_size__tile_overlayer_lowered;
	s6 =	simm.s32 $_tile_overlayer_lowered  }
0x9b: {  	s22 =	simm.s32 $0x1BFF;
	s21 =	sshll.u32 s6, $0x1;
	s3 =	sadd.s32 s4, s19  }
0x9c: {  	s7 =	simm.s32 $0x0;
	s20 =	sshll.u32 s5, $0x1;
	s5 =	sadd.s32 s21, s3  }
0x9d: {  	[timem:s7], [sflag:s22] =	dma.local [hbm:s5], s20  }
0x9e: {  	_ =	swait.ge [sflag:s22], s20  }
0x9f: {  	s4 =	ssub.s32 $0x0, s20;
	[sflag:s22] =	ssyncset.done $0x0  }
0xa0: {  	[sflag:s22] =	ssyncadd.s32 s4;
	_ =	sdelay $0x1  }
0xa1: {  	s23 =	simm.s32 $0x1B8B  }
0xa2: {  	_ =	swait.ge [sflag:s23], $0x1  }
0xa3: {  	[sflag:s23] =	ssyncset.done $0x0  }
0xa4: {  	s25 =	simm.s32 $0x1B8E;
	s24 =	sld [smem:$0x3FFE];
	[sflag:s23] =	ssyncadd.s32 $0xFFFFFFFF  }
0xa5: {  	s26 =	simm.s32 $execute0_lowered;
	[smem:$0x3FD2] =	sst s25  }
0xa6: {  	s5 =	sshll.u32 s26, $0x1;
	_ =	strace $0x80000046;
	[dreg:$0x1] =	wrdreg $0xFFFFFFFF  }
0xa7: {  	s28 =	simm.s32 $_size_execute0_lowered;
	s3 =	sadd.s32 s3, s5;
	[dreg:$0x0] =	wrdreg $0x0  }
0xa8: {  	s5 =	sshll.u32 s28, $0x1;
	[dreg:$0x2] =	wrdreg s3  }
0xa9: {  	[dreg:$0x3] =	wrdreg s5  }
0xaa: {  	[dreg:$0x4] =	wrdreg $0xC0  }
0xab: {  	_ =	task [dreg:s7], $0x5FFFF  }
0xac: {  	[dreg:$0x1] =	wrdreg $0xFFFFFFFF  }
0xad: {  	[dreg:$0x0] =	wrdreg $0x60  }
0xae: {  	[dreg:$0x2] =	wrdreg s24  }
0xaf: {  	[dreg:$0x3] =	wrdreg s2  }
0xb0: {  	[dreg:$0x4] =	wrdreg $0x9  }
0xb1: {  	_ =	task.clear_ibuf [dreg:s7], $0x5FFFF;
	_ =	strace $0x90000046  }
0xb2: {  	s29 =	simm.s32 $0x9;
	_ =	strace $0x80000048  }
0xb3: {  	_ =	swait.ge [sflag:s29], $0x1  }
0xb4: {  	[sflag:s29] =	ssyncadd.s32 $0xFFFFFFFF  }
0xb5: {  	_ =	strace $0x90000048  }
0xb6: {  	_ =	sfence  }
0xb7: {  	s30 =	sld [smem:$0x0];
	_ =	sdelay $0x2  }
0xb8: {  	s31 =	sshll.u32 s1, $0xD;
	s1 =	sshrl.u32 s1, $0x2  }
0xb9: {  	s3 =	sand.u32 $0x4000, s31;
	s1 =	sadd.s32 s1, s30  }
0xba: {  	s0 =	sor.u32 s3, s0;
	s1 =	sshll.u32 s1, $0x11  }
0xbb: {  	s0 =	sor.u32 s1, s0  }
0xbc: {  	s0 =	sadd.s32 $0x8F2B, s0  }
0xbd: {  	[sflag:s0] =	ssyncadd.remote.s32 $0x1  }
0xbe: {  	_ =	sfence.sel $0xFFFF  }
0xbf: {  	[dreg:$0x0] =	wrdreg $0xFFFFFFFF;
	(pc) =	sbr.abs _section_cstart, $3  }
0xc0: {  	[dreg:$0x1] =	wrdreg $0xFFFFFFFF  }
0xc1: {  	_ =	task.clear_ibuf [dreg:s7], $0x2FFFF;
	_ =	strace $0x9FFFFFFF  }
0xc2: {  	(tm) =	ssettm $0x7FFFFFFF  }
0xc3: {  	_ =	shalt  }
tec
execute0_lowered:
.L_overlay_start_1:
0x0: {  	(tag) =	ssettag $0x1  }
0x1: {  	s1 =	srdreg.scid  }
0x2: {  	s0 =	stileid.u32;
	s3 =	rddreg [dreg:$0x0]  }
0x3: {  	s5 =	rddreg [dreg:$0x1];
	s2 =	simm.s32 $0x0;
	s9 =	simm.s32 $0x280  }
0x4: {  	s10 =	simm.s32 $0x2280;
	s11 =	simm.s32 $0x80;
	s12 =	simm.s32 $0x4280  }
0x5: {  	s13 =	simm.s32 $0xC0;
	s14 =	simm.s32 $0x6280;
	s15 =	simm.s32 $0x100  }
0x6: {  	s16 =	simm.s32 $0x8280;
	s17 =	simm.s32 $0x140;
	s18 =	simm.s32 $0xA280  }
0x7: {  	s19 =	simm.s32 $0x180;
	s20 =	simm.s32 $0xC280;
	s21 =	simm.s32 $0x1C0  }
0x8: {  	s22 =	simm.s32 $0xE280;
	s23 =	simm.s32 $0x200;
	s24 =	simm.s32 $0x10280  }
0x9: {  	s25 =	simm.s32 $0x1;
	s26 =	simm.s32 $0x12280;
	s28 =	simm.s32 $0x0  }
0xa: {  	s4 =	sand.u32 $0x1, s1;
	s31 =	sshll.u32 s0, $0x1;
	s1 =	rddreg [dreg:$0x2]  }
0xb: {  	[smem:$0x7FF] =	sst s2;
	s6 =	sor.u32 s4, s31;
	s4 =	ssub.s32 $0x2, s4  }
0xc: {  	s7 =	smul.u32 $0x48, s6;
	s8 =	sshrl.u32 s4, $0x1;
	s6 =	sshll.u32 s6, $0xA  }
0xd: {  	_ =	strace $0x80000047;
	s8 =	ssub.s32 s4, s8;
	s5 =	sadd.s32 s5, s6  }
0xe: {  	s7 =	sadd.s32 s7, s3;
	s3 =	sadd.s32 $0x1C00, s3;
	s6 =	smax.u32 s8, $0x1  }
0xf: {  	s8 =	simm.s32 $0x40;
	s4 =	sadd.s32 $0x1200, s7;
	s7 =	simm.s32 $0x2  }
.LBB2_1:
0x10: {  	[tilespmem:s2], [sflag:$0x2] =	stream.linear.gather [hbm4b:s4+s2], $0x240, $0x38;
	[tilespmem:$0x14280] =	vst v63  }
0x11: {  	_ =	swait.ge [sflag:s7], $0x240  }
0x12: {  	[sflag:s7] =	ssyncset.done $0x0  }
0x13: {  	[sflag:s7] =	ssyncadd.s32 $0xFFFFFDC0  }
0x14: {  	[tilespmem:s9], [sflag:$0x1] =	stream.indirect.gather [hbm4b:s3+s8], $0x80, s2, s8, $0xb8;
	[tilespmem:$0x14280] =	vst v63  }
0x15: {  	_ = 	snop  }
0x16: {  	[tilespmem:s10], [sflag:$0x1] =	stream.indirect.gather [hbm4b:s3+s8], $0x80, s8, s8, $0xb8;
	[tilespmem:$0x14280] =	vst v63  }
0x17: {  	_ = 	snop  }
0x18: {  	[tilespmem:s12], [sflag:$0x1] =	stream.indirect.gather [hbm4b:s3+s8], $0x80, s11, s8, $0xb8;
	[tilespmem:$0x14280] =	vst v63  }
0x19: {  	_ = 	snop  }
0x1a: {  	[tilespmem:s14], [sflag:$0x1] =	stream.indirect.gather [hbm4b:s3+s8], $0x80, s13, s8, $0xb8;
	[tilespmem:$0x14280] =	vst v63  }
0x1b: {  	_ = 	snop  }
0x1c: {  	[tilespmem:s16], [sflag:$0x1] =	stream.indirect.gather [hbm4b:s3+s8], $0x80, s15, s8, $0xb8;
	[tilespmem:$0x14280] =	vst v63  }
0x1d: {  	_ = 	snop  }
0x1e: {  	[tilespmem:s18], [sflag:$0x1] =	stream.indirect.gather [hbm4b:s3+s8], $0x80, s17, s8, $0xb8;
	[tilespmem:$0x14280] =	vst v63  }
0x1f: {  	_ = 	snop  }
0x20: {  	[tilespmem:s20], [sflag:$0x1] =	stream.indirect.gather [hbm4b:s3+s8], $0x80, s19, s8, $0xb8;
	[tilespmem:$0x14280] =	vst v63  }
0x21: {  	_ = 	snop  }
0x22: {  	[tilespmem:s22], [sflag:$0x1] =	stream.indirect.gather [hbm4b:s3+s8], $0x80, s21, s8, $0xb8;
	[tilespmem:$0x14280] =	vst v63  }
0x23: {  	_ = 	snop  }
0x24: {  	[tilespmem:s24], [sflag:$0x1] =	stream.indirect.gather [hbm4b:s3+s8], $0x80, s23, s8, $0xb8;
	[tilespmem:$0x14280] =	vst v63  }
0x25: {  	_ =	swait.ge [sflag:s25], $0x2000  }
0x26: {  	[sflag:s25] =	ssyncset.done $0x0  }
0x27: {  	[sflag:s25] =	ssyncadd.s32 $0xFFFFE000  }
0x28: {  	_ =	swait.ge [sflag:s25], $0x2000  }
0x29: {  	[sflag:s25] =	ssyncset.done $0x0  }
0x2a: {  	[sflag:s25] =	ssyncadd.s32 $0xFFFFE000  }
0x2b: {  	_ =	swait.ge [sflag:s25], $0x2000  }
0x2c: {  	[sflag:s25] =	ssyncset.done $0x0  }
0x2d: {  	[sflag:s25] =	ssyncadd.s32 $0xFFFFE000  }
0x2e: {  	_ =	swait.ge [sflag:s25], $0x2000  }
0x2f: {  	[sflag:s25] =	ssyncset.done $0x0  }
0x30: {  	[sflag:s25] =	ssyncadd.s32 $0xFFFFE000  }
0x31: {  	_ =	swait.ge [sflag:s25], $0x2000  }
0x32: {  	[sflag:s25] =	ssyncset.done $0x0  }
0x33: {  	[sflag:s25] =	ssyncadd.s32 $0xFFFFE000  }
0x34: {  	_ =	swait.ge [sflag:s25], $0x2000  }
0x35: {  	[sflag:s25] =	ssyncset.done $0x0  }
0x36: {  	[sflag:s25] =	ssyncadd.s32 $0xFFFFE000  }
0x37: {  	_ =	swait.ge [sflag:s25], $0x2000  }
0x38: {  	[sflag:s25] =	ssyncset.done $0x0  }
0x39: {  	[sflag:s25] =	ssyncadd.s32 $0xFFFFE000  }
0x3a: {  	_ =	swait.ge [sflag:s25], $0x2000  }
0x3b: {  	[sflag:s25] =	ssyncset.done $0x0  }
0x3c: {  	[sflag:s25] =	ssyncadd.s32 $0xFFFFE000  }
0x3d: {  	_ =	swait.ge [sflag:s25], $0x2000  }
0x3e: {  	[sflag:s25] =	ssyncset.done $0x0  }
0x3f: {  	s29 =	simm.s32 $0x0;
	[sflag:s25] =	ssyncadd.s32 $0xFFFFE000  }
0x40: {  	v0 =	vld [tilespmem:s29+$0x2B0]  }
0x41: {  	v1 =	vld [tilespmem:s29+$0x22B0]  }
0x42: {  	v2 =	vld [tilespmem:s29+$0x280]  }
0x43: {  	v3 =	vld [tilespmem:s29+$0x42B0]  }
0x44: {  	v4 =	vld [tilespmem:s29+$0x2280]  }
0x45: {  	v5 =	vld [tilespmem:s29+$0x62B0]  }
0x46: {  	v6 =	vld [tilespmem:s29+$0x290]  }
0x47: {  	v7 =	vld [tilespmem:s29+$0x2290]  }
0x48: {  	v8 =	vld [tilespmem:s29+$0x2A0]  }
0x49: {  	v9 =	vld [tilespmem:s29+$0x22A0]  }
0x4a: {  	v10 =	vld [tilespmem:s29+$0x4280];
	v0 =	vadd.f32 v1, v0  }
0x4b: {  	v1 =	vld [tilespmem:s29+$0x82B0]  }
0x4c: {  	v11 =	vld [tilespmem:s29+$0x4290];
	v0 =	vadd.f32 v3, v0  }
0x4d: {  	v3 =	vld [tilespmem:s29+$0xA2B0]  }
0x4e: {  	v12 =	vld [tilespmem:s29+$0x6280];
	v0 =	vadd.f32 v5, v0  }
0x4f: {  	v5 =	vld [tilespmem:s29+$0xC2B0]  }
0x50: {  	v13 =	vld [tilespmem:s29+$0x62A0];
	v0 =	vadd.f32 v1, v0  }
0x51: {  	v1 =	vld [tilespmem:s29+$0xE2B0]  }
0x52: {  	v14 =	vld [tilespmem:s29+$0x8290];
	v0 =	vadd.f32 v3, v0  }
0x53: {  	v3 =	vld [tilespmem:s29+$0x102B0]  }
0x54: {  	v60 =	vld [tilespmem:s29+$0xA2A0];
	v0 =	vadd.f32 v5, v0  }
0x55: {  	v61 =	vld [tilespmem:s29+$0xC2A0]  }
0x56: {  	v5 =	vld [tilespmem:s29+$0x42A0];
	v0 =	vadd.f32 v1, v0  }
0x57: {  	v2 =	vadd.f32 v4, v2;
	v1 =	vld [tilespmem:s29+$0x6290]  }
0x58: {  	v4 =	vadd.f32 v7, v6;
	v6 =	vld [tilespmem:s29+$0xA280];
	v0 =	vadd.f32 v3, v0  }
0x59: {  	v7 =	vadd.f32 v9, v8;
	v3 =	vld [tilespmem:s29+$0x8280]  }
0x5a: {  	v2 =	vadd.f32 v10, v2;
	v4 =	vadd.f32 v11, v4;
	[tilespmem:s29+$0x122B0] =	vst v0;
	v0 =	vld [tilespmem:s29+$0x82A0]  }
0x5b: {  	v8 =	vld [tilespmem:s29+$0xA290];
	v5 =	vadd.f32 v5, v7  }
0x5c: {  	v2 =	vadd.f32 v12, v2;
	v7 =	vld [tilespmem:s29+$0xC280];
	v1 =	vadd.f32 v1, v4  }
0x5d: {  	v4 =	vld [tilespmem:s29+$0xC290];
	v5 =	vadd.f32 v13, v5  }
0x5e: {  	v62 =	vld [tilespmem:s29+$0xE280];
	v2 =	vadd.f32 v3, v2;
	v1 =	vadd.f32 v14, v1  }
0x5f: {  	v63 =	vld [tilespmem:s29+$0xE290];
	v0 =	vadd.f32 v0, v5  }
0x60: {  	v2 =	vadd.f32 v6, v2;
	v5 =	vadd.f32 v8, v1;
	v1 =	vld [tilespmem:s29+$0xE2A0]  }
0x61: {  	v3 =	vld [tilespmem:s29+$0x10280];
	v0 =	vadd.f32 v60, v0  }
0x62: {  	v6 =	vadd.f32 v7, v2;
	v7 =	vadd.f32 v4, v5;
	v2 =	vld [tilespmem:s29+$0x10290]  }
0x63: {  	s31 =	simm.s32 $0x80;
	v4 =	vld [tilespmem:s29+$0x102A0];
	v5 =	vadd.f32 v61, v0  }
0x64: {  	s30 =	simm.s32 $0x400;
	v6 =	vadd.f32 v62, v6;
	v0 =	vld [tilespmem:s31+$0x2B0];
	v7 =	vadd.f32 v63, v7  }
.LBB2_2:
0x65: {  	p0 =	sne.s32 s30, $0x7E00;
	v8 =	vld [tilespmem:s31+$0x22B0];
	v1 =	vadd.f32 v1, v5  }
0x66: {  	v5 =	vld [tilespmem:s31+$0x280];
	v3 =	vadd.f32 v3, v6  }
0x67: {  	v6 =	vld [tilespmem:s31+$0x42B0];
	v2 =	vadd.f32 v2, v7  }
0x68: {  	v7 =	vld [tilespmem:s31+$0x2280];
	[tilespmem:s29+$0x12280] =	vst v3;
	v1 =	vadd.f32 v4, v1  }
0x69: {  	v3 =	vld [tilespmem:s31+$0x62B0];
	[tilespmem:s29+$0x12290] =	vst v2  }
0x6a: {  	v2 =	vld [tilespmem:s31+$0x290];
	v0 =	vadd.f32 v8, v0;
	[tilespmem:s29+$0x122A0] =	vst v1;
	s29 =	smov.u32 s31  }
0x6b: {  	v1 =	vld [tilespmem:s29+$0x82B0]  }
0x6c: {  	v4 =	vld [tilespmem:s29+$0x2290];
	v0 =	vadd.f32 v6, v0  }
0x6d: {  	v5 =	vadd.f32 v7, v5;
	v6 =	vld [tilespmem:s29+$0xA2B0]  }
0x6e: {  	v7 =	vld [tilespmem:s29+$0x2A0];
	v0 =	vadd.f32 v3, v0  }
0x6f: {  	v3 =	vld [tilespmem:s29+$0xC2B0]  }
0x70: {  	v8 =	vld [tilespmem:s29+$0x22A0];
	v0 =	vadd.f32 v1, v0  }
0x71: {  	v1 =	vadd.f32 v4, v2;
	v2 =	vld [tilespmem:s29+$0xE2B0]  }
0x72: {  	v4 =	vld [tilespmem:s29+$0x4280];
	v0 =	vadd.f32 v6, v0  }
0x73: {  	v6 =	vld [tilespmem:s29+$0x102B0]  }
0x74: {  	v9 =	vld [tilespmem:s29+$0x4290];
	v0 =	vadd.f32 v3, v0  }
0x75: {  	v3 =	vadd.f32 v8, v7;
	v7 =	vld [tilespmem:s29+$0x42A0]  }
0x76: {  	v8 =	vld [tilespmem:s29+$0x6280];
	v0 =	vadd.f32 v2, v0  }
0x77: {  	v2 =	vadd.f32 v4, v5;
	v4 =	vld [tilespmem:s29+$0x6290]  }
0x78: {  	v5 =	vld [tilespmem:s29+$0x62A0];
	v0 =	vadd.f32 v6, v0  }
0x79: {  	v6 =	vld [tilespmem:s29+$0x8280];
	v1 =	vadd.f32 v9, v1  }
0x7a: {  	v9 =	vld [tilespmem:s29+$0x8290];
	v3 =	vadd.f32 v7, v3;
	[tilespmem:s29+$0x122B0] =	vst v0  }
0x7b: {  	v0 =	vadd.f32 v8, v2;
	v2 =	vld [tilespmem:s29+$0x82A0]  }
0x7c: {  	v7 =	vld [tilespmem:s29+$0xA280];
	v1 =	vadd.f32 v4, v1  }
0x7d: {  	v4 =	vld [tilespmem:s29+$0xA290];
	v3 =	vadd.f32 v5, v3  }
0x7e: {  	v0 =	vadd.f32 v6, v0;
	v5 =	vld [tilespmem:s29+$0xA2A0]  }
0x7f: {  	v6 =	vld [tilespmem:s29+$0xC280];
	v1 =	vadd.f32 v9, v1  }
0x80: {  	v8 =	vld [tilespmem:s29+$0xC290];
	v2 =	vadd.f32 v2, v3  }
0x81: {  	v0 =	vadd.f32 v7, v0;
	v7 =	vld [tilespmem:s29+$0xC2A0]  }
0x82: {  	v9 =	vld [tilespmem:s29+$0xE280];
	v4 =	vadd.f32 v4, v1  }
0x83: {  	v10 =	vld [tilespmem:s29+$0xE290];
	v5 =	vadd.f32 v5, v2  }
.Ltmp0:
0x84: {  	v0 =	vadd.f32 v6, v0;
	v1 =	vld [tilespmem:s29+$0xE2A0];
	(pc) =	sbr.rel @p0 .LBB2_2-.Ltmp0, $4  }
0x85: {  	v3 =	vld [tilespmem:s29+$0x10280];
	v8 =	vadd.f32 v8, v4  }
0x86: {  	v2 =	vld [tilespmem:s29+$0x10290];
	v5 =	vadd.f32 v7, v5  }
0x87: {  	s31 =	sshra.s32 s30, $0x2;
	v6 =	vadd.f32 v9, v0;
	v4 =	vld [tilespmem:s29+$0x102A0]  }
0x88: {  	s30 =	sadd.s32 $0x200, s30;
	v0 =	vld [tilespmem:s31+$0x2B0];
	v7 =	vadd.f32 v10, v8  }
0x89: {  	v8 =	vld [tilespmem:s31+$0x22B0]  }
0x8a: {  	v9 =	vld [tilespmem:s31+$0x280];
	v1 =	vadd.f32 v1, v5;
	v3 =	vadd.f32 v3, v6  }
0x8b: {  	v35 =	vld [tilespmem:s31+$0x42B0];
	v2 =	vadd.f32 v2, v7  }
0x8c: {  	v10 =	vld [tilespmem:s31+$0x2280];
	[tilespmem:s29+$0x12280] =	vst v3;
	v1 =	vadd.f32 v4, v1  }
0x8d: {  	v3 =	vld [tilespmem:s31+$0x62B0];
	[tilespmem:s29+$0x12290] =	vst v2  }
0x8e: {  	v2 =	vld [tilespmem:s31+$0x290];
	[tilespmem:s29+$0x122A0] =	vst v1  }
0x8f: {  	v1 =	vld [tilespmem:s31+$0x82B0]  }
0x90: {  	v36 =	vld [tilespmem:s31+$0x2290]  }
0x91: {  	v37 =	vld [tilespmem:s31+$0xA2B0]  }
0x92: {  	v38 =	vld [tilespmem:s31+$0x2A0]  }
0x93: {  	v39 =	vld [tilespmem:s31+$0xC2B0]  }
0x94: {  	v40 =	vld [tilespmem:s31+$0x22A0]  }
0x95: {  	v41 =	vld [tilespmem:s31+$0xE2B0]  }
0x96: {  	v42 =	vld [tilespmem:s31+$0x4280]  }
0x97: {  	v43 =	vld [tilespmem:s31+$0x102B0]  }
0x98: {  	v0 =	vadd.f32 v8, v0;
	v11 =	vld [tilespmem:s31+$0x4290]  }
0x99: {  	v44 =	vld [tilespmem:s31+$0x42A0]  }
0x9a: {  	v12 =	vld [tilespmem:s31+$0x6280];
	v0 =	vadd.f32 v35, v0  }
0x9b: {  	v45 =	vld [tilespmem:s31+$0x6290]  }
0x9c: {  	v13 =	vld [tilespmem:s31+$0x62A0];
	v0 =	vadd.f32 v3, v0  }
0x9d: {  	v46 =	vld [tilespmem:s31+$0x8280]  }
0x9e: {  	v14 =	vld [tilespmem:s31+$0x8290];
	v0 =	vadd.f32 v1, v0  }
0x9f: {  	v47 =	vld [tilespmem:s31+$0x82A0]  }
0xa0: {  	v9 =	vadd.f32 v10, v9;
	v48 =	vld [tilespmem:s31+$0xA280];
	v0 =	vadd.f32 v37, v0  }
0xa1: {  	v49 =	vld [tilespmem:s31+$0xA290];
	v2 =	vadd.f32 v36, v2;
	v6 =	vadd.f32 v40, v38  }
0xa2: {  	v51 =	vld [tilespmem:s31+$0xA2A0];
	v50 =	vadd.f32 v42, v9;
	v0 =	vadd.f32 v39, v0  }
0xa3: {  	v52 =	vld [tilespmem:s31+$0xC280];
	v2 =	vadd.f32 v11, v2;
	v3 =	vadd.f32 v44, v6  }
0xa4: {  	v54 =	vld [tilespmem:s31+$0xC290];
	v53 =	vadd.f32 v12, v50;
	v0 =	vadd.f32 v41, v0  }
0xa5: {  	v55 =	vld [tilespmem:s31+$0xC2A0];
	v1 =	vadd.f32 v45, v2;
	v3 =	vadd.f32 v13, v3  }
0xa6: {  	v56 =	vld [tilespmem:s31+$0xE280];
	v5 =	vadd.f32 v46, v53;
	v0 =	vadd.f32 v43, v0  }
0xa7: {  	v57 =	vld [tilespmem:s31+$0xE290];
	v1 =	vadd.f32 v14, v1  }
0xa8: {  	v59 =	vld [tilespmem:s31+$0xE2A0];
	v58 =	vadd.f32 v48, v5;
	[tilespmem:s31+$0x122B0] =	vst v0;
	v0 =	vadd.f32 v47, v3  }
0xa9: {  	v60 =	vld [tilespmem:s31+$0x10280];
	v1 =	vadd.f32 v49, v1  }
0xaa: {  	v61 =	vld [tilespmem:s31+$0x10290];
	v3 =	vadd.f32 v52, v58;
	v0 =	vadd.f32 v51, v0  }
0xab: {  	v62 =	vld [tilespmem:s31+$0x102A0];
	v1 =	vadd.f32 v54, v1  }
0xac: {  	v63 =	vadd.f32 v56, v3;
	v0 =	vadd.f32 v55, v0  }
0xad: {  	v1 =	vadd.f32 v57, v1  }
0xae: {  	v2 =	vadd.f32 v60, v63;
	v0 =	vadd.f32 v59, v0  }
0xaf: {  	v1 =	vadd.f32 v61, v1  }
0xb0: {  	s28 =	sadd.s32 $0x1, s28;
	[tilespmem:s31+$0x12280] =	vst v2;
	v0 =	vadd.f32 v62, v0  }
0xb1: {  	p0 =	sne.s32 s28, s6;
	[tilespmem:s31+$0x12290] =	vst v1  }
.Ltmp1:
0xb2: {  	[tilespmem:s31+$0x122A0] =	vst v0;
	(pc) =	sbr.rel @p0 .LBB2_1-.Ltmp1, $4  }
0xb3: {  	[hbm4b:s5+s2] =	stream.linear.scatter [tilespmem:s26], [sflag:$0x2], $0x2000, $0x38;
	[tilespmem:$0x14280] =	vst v63  }
0xb4: {  	_ =	swait.ge [sflag:s7], $0x2000  }
0xb5: {  	[sflag:s7] =	ssyncset.done $0x0  }
0xb6: {  	[sflag:s7] =	ssyncadd.s32 $0xFFFFE000  }
0xb7: {  	_ =	sfence.sel $0x180000  }
0xb8: {  	[bflag:$0x0] =	sbarrier.arrive $0xFFFF  }
0xb9: {  	p0 =	sne.s32 s0, $0x0;
	_ =	strace $0x90000047  }
0xba: {  	s0 =	sadd.s32 @!p0 $0x100000, s1;
	[bflag:$0x2] =	sbarrier.arrive $0xFFFF  }
0xbb: {  	[sflag:s0] =	ssyncadd.tile.s32 @!p0 $0x1;
	_ =	shalt  }
.Lfunc_end2:
_tile_overlayer_lowered:
.L_overlay_start_2:
0xbc: {  	(tag) =	ssettag $0x2  }
0xbd: {  	s0 =	rddreg [dreg:$0x0];
	s2 =	stileid.u32  }
0xbe: {  	s1 =	rddreg [dreg:$0x1];
	p0 =	sne.s32 s2, $0x0  }
0xbf: {  	s3 =	rddreg [dreg:$0x2];
	[bflag:$0x3] =	sbarrier.arrive $0xFFFF;
	s2 =	simm.s32 @!p0 $0x1C02  }
0xc0: {  	[timem:s3], [sflag:s2] =	dma.local @!p0 [hbm:s0], s1  }
0xc1: {  	s0 =	simm.s32 @!p0 $0x2  }
0xc2: {  	_ =	swait.ge @!p0 [sflag:s0], s1  }
0xc3: {  	s1 =	ssub.s32 @!p0 $0x0, s1;
	[sflag:s0] =	ssyncset.done @!p0 $0x0  }
0xc4: {  	[sflag:s0] =	ssyncadd.s32 @!p0 s1  }
0xc5: {  	[bflag:$0x3] =	sbarrier.arrive $0xFFFF  }
0xc6: {  	_ =	shalt  }

</sc_bundles>
